<compile_context>
chip_gen: v7x
topology: tpu7x:2x2x1
jax: 0.10.2.dev20260603
libtpu: 0.0.44.dev20260713+nightly
codegen_flags: <defaults>
</compile_context>

<pallas_src>
import functools

import jax
import jax.numpy as jnp
from jax import lax
from jax.experimental import pallas as pl
from jax.experimental.pallas import tpu as pltpu
from jax.experimental.pallas import tpu_sc as plsc

N_NODES = 10000
N_EDGES = 320000
NP = 10240
NC, NS = 2, 16
NW = NC * NS
C = 128
KH = -(-N_EDGES // (NS * C))
KD = -(-N_EDGES // (NW * C))
ROWS_PER_TILE = NP // NS

_mesh = plsc.VectorSubcoreMesh(core_axis_name="c", subcore_axis_name="s")



@functools.partial(
    pl.kernel,
    out_type=jax.ShapeDtypeStruct((NC, NP), jnp.float32),
    mesh=_mesh,
    scratch_types=[
        pltpu.VMEM((KD, C), jnp.int32),
        pltpu.VMEM((C,), jnp.float32),
        pltpu.VMEM_SHARED((NP,), jnp.float32),
    ],
)
def _degree_kernel(dst_hbm, ones_hbm, zeros_hbm, out_hbm, idx_v, ones_v,
                   hist_sh):
    c = lax.axis_index("c")
    s = lax.axis_index("s")
    wid = s * NC + c
    base = s * ROWS_PER_TILE
    pltpu.sync_copy(zeros_hbm, hist_sh.at[pl.ds(base, ROWS_PER_TILE)])
    pltpu.sync_copy(ones_hbm, ones_v)
    pltpu.sync_copy(dst_hbm.at[wid], idx_v)
    plsc.subcore_barrier()

    def body(j, carry):
        pltpu.sync_copy(ones_v, hist_sh.at[idx_v.at[j]], add=True)
        return carry

    lax.fori_loop(0, KD, body, 0)
    plsc.subcore_barrier()
    pltpu.sync_copy(hist_sh.at[pl.ds(base, ROWS_PER_TILE)],
                    out_hbm.at[c, pl.ds(base, ROWS_PER_TILE)])


def _make_agg_kernel(HD):
    @functools.partial(
        pl.kernel,
        out_type=jax.ShapeDtypeStruct((NC, NP, HD), jnp.float32),
        mesh=_mesh,
        compiler_params=pltpu.CompilerParams(use_tc_tiling_on_sc=False),
        scratch_types=[
            pltpu.VMEM((KH + 2, C), jnp.int32),
            pltpu.VMEM((KH, C), jnp.int32),
            pltpu.VMEM((4, C, HD), jnp.float32),
            pltpu.VMEM_SHARED((NP, HD), jnp.float32),
            pltpu.SemaphoreType.DMA,
            pltpu.SemaphoreType.DMA,
            pltpu.SemaphoreType.DMA,
            pltpu.SemaphoreType.DMA,
        ],
    )
    def agg_kernel(src_hbm, dst_hbm, g_hbm, out_hbm,
                   idx_sv, idx_dv, ring, agg_sh, sem_g0, sem_g1, sem_s0,
                   sem_s1):
        c = lax.axis_index("c")
        s = lax.axis_index("s")
        base = s * ROWS_PER_TILE
        gv = g_hbm.at[c]
        pltpu.sync_copy(gv.at[pl.ds(base, ROWS_PER_TILE)],
                        agg_sh.at[pl.ds(base, ROWS_PER_TILE)])
        pltpu.sync_copy(src_hbm.at[s], idx_sv)
        pltpu.sync_copy(dst_hbm.at[s], idx_dv)
        plsc.subcore_barrier()

        def gather(j, sem):
            pltpu.async_copy(gv.at[idx_sv.at[j]], ring.at[lax.rem(j, 4)], sem)

        def gather_wait(j, sem):
            pltpu.make_async_copy(gv.at[idx_sv.at[j]],
                                  ring.at[lax.rem(j, 4)], sem).wait()

        def scatter(j, sem):
            pltpu.async_copy(ring.at[lax.rem(j, 4)], agg_sh.at[idx_dv.at[j]],
                             sem, add=True)

        def scatter_wait(j, sem):
            pltpu.make_async_copy(ring.at[lax.rem(j, 4)],
                                  agg_sh.at[idx_dv.at[j]], sem).wait()

        gather(0, sem_g0)
        gather(1, sem_g1)

        def body2(j, sg, ss):
            gather_wait(j, sg)

            @pl.when(j >= 2)
            def _():
                scatter_wait(j - 2, ss)

            scatter(j, ss)
            gather(j + 2, sg)

        def body(i, carry):
            j0 = 2 * i
            body2(j0, sem_g0, sem_s0)
            body2(j0 + 1, sem_g1, sem_s1)
            return carry

        lax.fori_loop(0, KH // 2, body, 0)
        if KH % 2:
            body2(KH - 1, sem_g0, sem_s0)
            gather_wait(KH, sem_g1)
            gather_wait(KH + 1, sem_g0)
            scatter_wait(KH - 2, sem_s1)
            scatter_wait(KH - 1, sem_s0)
        else:
            gather_wait(KH, sem_g0)
            gather_wait(KH + 1, sem_g1)
            scatter_wait(KH - 2, sem_s0)
            scatter_wait(KH - 1, sem_s1)
        plsc.subcore_barrier()
        pltpu.sync_copy(agg_sh.at[pl.ds(base, ROWS_PER_TILE)],
                        out_hbm.at[c, pl.ds(base, ROWS_PER_TILE)])

    return agg_kernel


_agg_l1 = _make_agg_kernel(64)
_agg_l2 = _make_agg_kernel(32)



_BLK = 1024


def _tc1_body(h_ref, x_ref, w_ref, dinv_ref, g_ref):
    deg = h_ref[0] + h_ref[1] + 1.0
    dinv = lax.rsqrt(deg)
    dinv_ref[...] = dinv
    z = jnp.dot(x_ref[...], w_ref[...], preferred_element_type=jnp.float32)
    g = z * dinv
    g_ref[0] = g[:, :64]
    g_ref[1] = g[:, 64:]


def _tc2_body(a_ref, dinv_ref, b_ref, w_ref, g2_ref):
    dinv = dinv_ref[...]
    h = dinv * a_ref[...] + b_ref[...]
    h = jnp.maximum(h, 0.0)
    h = jnp.concatenate([h[0], h[1]], axis=1)
    g2 = dinv * jnp.dot(h, w_ref[...], preferred_element_type=jnp.float32)
    g2_ref[0] = g2[:, :32]
    g2_ref[1] = g2[:, 32:]


def _tc3_body(a_ref, dinv_ref, b_ref, out_ref):
    o = dinv_ref[...] * a_ref[...] + b_ref[...]
    out_ref[...] = jnp.concatenate([o[0], o[1]], axis=1)


def _row_spec(d):
    return pl.BlockSpec((_BLK, d), lambda i: (i, 0))


def _half_spec(d):
    return pl.BlockSpec((NC, _BLK, d), lambda i: (0, i, 0))


def _full_spec(shape):
    return pl.BlockSpec(shape, lambda i: tuple(0 for _ in shape))


def _tc1(h, x, w):
    return pl.pallas_call(
        _tc1_body,
        grid=(NP // _BLK,),
        in_specs=[_half_spec(1), _row_spec(128), _full_spec((128, 128))],
        out_specs=[_row_spec(1), _half_spec(64)],
        out_shape=[jax.ShapeDtypeStruct((NP, 1), jnp.float32),
                   jax.ShapeDtypeStruct((NC, NP, 64), jnp.float32)],
    )(h, x, w)


def _tc2(a, dinv, b, w):
    return pl.pallas_call(
        _tc2_body,
        grid=(NP // _BLK,),
        in_specs=[_half_spec(64), _row_spec(1),
                  _full_spec((NC, 1, 64)), _full_spec((128, 64))],
        out_specs=_half_spec(32),
        out_shape=jax.ShapeDtypeStruct((NC, NP, 32), jnp.float32),
    )(a, dinv, b, w)


def _tc3(a, dinv, b):
    return pl.pallas_call(
        _tc3_body,
        grid=(NP // _BLK,),
        in_specs=[_half_spec(32), _row_spec(1), _full_spec((NC, 1, 32))],
        out_specs=_row_spec(64),
        out_shape=jax.ShapeDtypeStruct((NP, 64), jnp.float32),
    )(a, dinv, b)



def kernel(x, edge_index, W1, b1, W2, b2):
    src = edge_index[0].astype(jnp.int32)
    dst = edge_index[1].astype(jnp.int32)

    n_pad = NS * KH * C - N_EDGES
    pad_dst = N_NODES + (jnp.arange(n_pad, dtype=jnp.int32) % (NP - N_NODES))
    src_a = jnp.concatenate([src, jnp.zeros((n_pad,), jnp.int32)])
    dst_a = jnp.concatenate([dst, pad_dst])
    src_a = jnp.pad(src_a.reshape(NS, KH, C), ((0, 0), (0, 2), (0, 0)))
    dst_a = dst_a.reshape(NS, KH, C)

    n_pad_d = NW * KD * C - N_EDGES
    pad_dst_d = N_NODES + (jnp.arange(n_pad_d, dtype=jnp.int32)
                           % (NP - N_NODES))
    dst_d = jnp.concatenate([dst, pad_dst_d]).reshape(NW, KD, C)

    xp = jnp.pad(x, ((0, NP - N_NODES), (0, 0)))
    ones_c = jnp.ones((C,), jnp.float32)
    zeros_1d = jnp.zeros((ROWS_PER_TILE,), jnp.float32)

    hist = _degree_kernel(dst_d, ones_c, zeros_1d)

    dinv, g1 = _tc1(hist.reshape(NC, NP, 1), xp, W1)

    agg1 = _agg_l1(src_a, dst_a, g1)
    g2 = _tc2(agg1, dinv, b1.reshape(NC, 1, 64), W2)

    agg2 = _agg_l2(src_a, dst_a, g2)
    out = _tc3(agg2, dinv, b2.reshape(NC, 1, 32))
    return out[:N_NODES]

# --- scband reference (transcript-rebuilt; emitter-appended) ---
"""Pipeline reference for scband-encoder-43568148250937 (READ-ONLY COPY).

The authoritative reference and input builder live on the scoring server;
editing this copy changes nothing except your own understanding.
"""

import jax, jax.numpy as jnp
import numpy as np

N_NODES = 10000
N_EDGES = 320000
D_IN = 128
D_HID = 128
D_OUT = 64


def glorot(key, shape):
    fan_in, fan_out = shape[0], shape[1]
    limit = jnp.sqrt(6.0 / (fan_in + fan_out))
    return jax.random.uniform(key, shape, dtype=jnp.float32, minval=-limit, maxval=limit)


def setup_inputs(seed: int = 0) -> dict:
    key = jax.random.key(seed)
    k_x, k_e, k_w1, k_w2 = jax.random.split(key, 4)
    x = jax.random.normal(k_x, (N_NODES, D_IN), dtype=jnp.float32)
    edge_index = jax.random.randint(k_e, (2, N_EDGES), 0, N_NODES, dtype=jnp.int64)
    W1 = glorot(k_w1, (D_IN, D_HID))
    b1 = jnp.zeros((D_HID,), dtype=jnp.float32)
    W2 = glorot(k_w2, (D_HID, D_OUT))
    b2 = jnp.zeros((D_OUT,), dtype=jnp.float32)
    return {"x": x, "edge_index": edge_index, "W1": W1, "b1": b1, "W2": W2, "b2": b2}


def gcn_conv(x, edge_index, W, b):
    # Faithful PyG GCNConv: linear transform, add self-loops, symmetric normalization,
    # scatter-add aggregation by destination node, then bias.
    num_nodes = x.shape[0]
    h = x @ W
    src = edge_index[0]
    dst = edge_index[1]
    loop = jnp.arange(num_nodes, dtype=src.dtype)
    src = jnp.concatenate([src, loop])
    dst = jnp.concatenate([dst, loop])
    deg = jnp.zeros((num_nodes,), dtype=h.dtype).at[dst].add(1.0)
    deg_inv_sqrt = jnp.where(deg > 0, jax.lax.rsqrt(jnp.maximum(deg, 1e-12)), 0.0)
    norm = deg_inv_sqrt[src] * deg_inv_sqrt[dst]
    msgs = h[src] * norm[:, None]
    out = jax.ops.segment_sum(msgs, dst, num_segments=num_nodes)
    return out + b


def reference(x, edge_index, W1, b1, W2, b2):
    h = gcn_conv(x, edge_index, W1, b1)
    h = jax.nn.relu(h)
    return gcn_conv(h, edge_index, W2, b2)

if __name__ == "__main__":
    import jax
    _d = setup_inputs()
    print(jax.jit(kernel)(*tuple(_d.values())))

</pallas_src>

<mosaic_0001>
#map = affine_map<(d0, d1) -> (0, 0, 0)>
module attributes {stable_mosaic.version = 14 : i64} {
  func.func @agg_kernel(%arg0: i32, %arg1: i32, %arg2: memref<16x159x128xi32, #tpu.memory_space<hbm>>, %arg3: memref<16x157x128xi32, #tpu.memory_space<hbm>>, %arg4: memref<2x10240x32xf32, #tpu.memory_space<hbm>>, %arg5: memref<2x10240x32xf32, #tpu.memory_space<hbm>>, %arg6: memref<159x128xi32, #tpu.memory_space<vmem>>, %arg7: memref<157x128xi32, #tpu.memory_space<vmem>>, %arg8: memref<4x128x32xf32, #tpu.memory_space<vmem>>, %arg9: memref<10240x32xf32, #tpu.memory_space<vmem_shared>>, %arg10: memref<!tpu.dma_semaphore, #tpu.memory_space<semaphore_mem>>, %arg11: memref<!tpu.dma_semaphore, #tpu.memory_space<semaphore_mem>>, %arg12: memref<!tpu.dma_semaphore, #tpu.memory_space<semaphore_mem>>, %arg13: memref<!tpu.dma_semaphore, #tpu.memory_space<semaphore_mem>>) attributes {dimension_semantics = [#tpu.dimension_semantics<core_parallel>, #tpu.dimension_semantics<subcore_parallel>], iteration_bounds = array<i64: 2, 16>, scalar_prefetch = 0 : i64, scratch_operands = 8 : i64, tpu.core_type = #tpu.core_type<sc_vector_subcore>, window_params = [{transform_indices = #map}, {transform_indices = #map}, {transform_indices = #map}, {transform_indices = #map}]} {
    %mul3A = arith.constant 640 : i32
    %mul3A_0 = arith.muli %arg1, %mul3A : i32
    "tpu.region"() ({
      %run_scoped3A = tpu.sem_alloc : memref<!tpu.dma_semaphore, #tpu.memory_space<semaphore_mem>>
      %dma_start3A_168 = arith.constant 0 : i32
      %dma_start3A_169 = tpu.memref_slice %arg9[%mul3A_0, %dma_start3A_168] : memref<10240x32xf32, #tpu.memory_space<vmem_shared>> -> memref<640x32xf32, #tpu.memory_space<vmem_shared>>
      %dma_start3A_170 = arith.constant 0 : i32
      %dma_start3A_171 = arith.constant 0 : i32
      %dma_start3A_172 = tpu.memref_slice %arg4[%arg0, %dma_start3A_170, %dma_start3A_171] : memref<2x10240x32xf32, #tpu.memory_space<hbm>> -> memref<1x10240x32xf32, #tpu.memory_space<hbm>>
      %dma_start3A_173 = tpu.memref_squeeze %dma_start3A_172 : memref<1x10240x32xf32, #tpu.memory_space<hbm>> -> memref<10240x32xf32, #tpu.memory_space<hbm>>
      %dma_start3A_174 = arith.constant 0 : i32
      %dma_start3A_175 = tpu.memref_slice %dma_start3A_173[%mul3A_0, %dma_start3A_174] : memref<10240x32xf32, #tpu.memory_space<hbm>> -> memref<640x32xf32, #tpu.memory_space<hbm>>
      tpu.enqueue_dma source(%dma_start3A_175 : memref<640x32xf32, #tpu.memory_space<hbm>>) target(%dma_start3A_169 : memref<640x32xf32, #tpu.memory_space<vmem_shared>>) target_semaphore(%run_scoped3A : memref<!tpu.dma_semaphore, #tpu.memory_space<semaphore_mem>>)
      %dma_wait3A_176 = arith.constant 0 : i32
      %dma_wait3A_177 = tpu.memref_slice %arg9[%mul3A_0, %dma_wait3A_176] : memref<10240x32xf32, #tpu.memory_space<vmem_shared>> -> memref<640x32xf32, #tpu.memory_space<vmem_shared>>
      %dma_wait3A_178 = arith.constant 0 : i32
      %dma_wait3A_179 = arith.constant 0 : i32
      %dma_wait3A_180 = tpu.memref_slice %arg4[%arg0, %dma_wait3A_178, %dma_wait3A_179] : memref<2x10240x32xf32, #tpu.memory_space<hbm>> -> memref<1x10240x32xf32, #tpu.memory_space<hbm>>
      %dma_wait3A_181 = tpu.memref_squeeze %dma_wait3A_180 : memref<1x10240x32xf32, #tpu.memory_space<hbm>> -> memref<10240x32xf32, #tpu.memory_space<hbm>>
      %dma_wait3A_182 = arith.constant 0 : i32
      %dma_wait3A_183 = tpu.memref_slice %dma_wait3A_181[%mul3A_0, %dma_wait3A_182] : memref<10240x32xf32, #tpu.memory_space<hbm>> -> memref<640x32xf32, #tpu.memory_space<hbm>>
      tpu.wait_dma2 semaphore(%run_scoped3A : memref<!tpu.dma_semaphore, #tpu.memory_space<semaphore_mem>>) src(%dma_wait3A_183 : memref<640x32xf32, #tpu.memory_space<hbm>>) dst(%dma_wait3A_177 : memref<640x32xf32, #tpu.memory_space<vmem_shared>>)
      tpu.yield
    }) : () -> ()
    "tpu.region"() ({
      %run_scoped3A = tpu.sem_alloc : memref<!tpu.dma_semaphore, #tpu.memory_space<semaphore_mem>>
      %dma_start3A_168 = arith.constant 0 : i32
      %dma_start3A_169 = arith.constant 0 : i32
      %dma_start3A_170 = tpu.memref_slice %arg2[%arg1, %dma_start3A_168, %dma_start3A_169] : memref<16x159x128xi32, #tpu.memory_space<hbm>> -> memref<1x159x128xi32, #tpu.memory_space<hbm>>
      %dma_start3A_171 = tpu.memref_squeeze %dma_start3A_170 : memref<1x159x128xi32, #tpu.memory_space<hbm>> -> memref<159x128xi32, #tpu.memory_space<hbm>>
      %dma_start3A_172 = arith.constant 0 : i32
      %dma_start3A_173 = arith.constant 0 : i32
      %dma_start3A_174 = tpu.memref_slice %arg2[%arg1, %dma_start3A_172, %dma_start3A_173] : memref<16x159x128xi32, #tpu.memory_space<hbm>> -> memref<1x159x128xi32, #tpu.memory_space<hbm>>
      %dma_start3A_175 = tpu.memref_squeeze %dma_start3A_174 : memref<1x159x128xi32, #tpu.memory_space<hbm>> -> memref<159x128xi32, #tpu.memory_space<hbm>>
      tpu.enqueue_dma source(%dma_start3A_175 : memref<159x128xi32, #tpu.memory_space<hbm>>) target(%arg6 : memref<159x128xi32, #tpu.memory_space<vmem>>) target_semaphore(%run_scoped3A : memref<!tpu.dma_semaphore, #tpu.memory_space<semaphore_mem>>)
      %dma_wait3A_176 = arith.constant 0 : i32
      %dma_wait3A_177 = arith.constant 0 : i32
      %dma_wait3A_178 = tpu.memref_slice %arg2[%arg1, %dma_wait3A_176, %dma_wait3A_177] : memref<16x159x128xi32, #tpu.memory_space<hbm>> -> memref<1x159x128xi32, #tpu.memory_space<hbm>>
      %dma_wait3A_179 = tpu.memref_squeeze %dma_wait3A_178 : memref<1x159x128xi32, #tpu.memory_space<hbm>> -> memref<159x128xi32, #tpu.memory_space<hbm>>
      %dma_wait3A_180 = arith.constant 0 : i32
      %dma_wait3A_181 = arith.constant 0 : i32
      %dma_wait3A_182 = tpu.memref_slice %arg2[%arg1, %dma_wait3A_180, %dma_wait3A_181] : memref<16x159x128xi32, #tpu.memory_space<hbm>> -> memref<1x159x128xi32, #tpu.memory_space<hbm>>
      %dma_wait3A_183 = tpu.memref_squeeze %dma_wait3A_182 : memref<1x159x128xi32, #tpu.memory_space<hbm>> -> memref<159x128xi32, #tpu.memory_space<hbm>>
      tpu.wait_dma2 semaphore(%run_scoped3A : memref<!tpu.dma_semaphore, #tpu.memory_space<semaphore_mem>>) src(%dma_wait3A_183 : memref<159x128xi32, #tpu.memory_space<hbm>>) dst(%arg6 : memref<159x128xi32, #tpu.memory_space<vmem>>)
      tpu.yield
    }) : () -> ()
    "tpu.region"() ({
      %run_scoped3A = tpu.sem_alloc : memref<!tpu.dma_semaphore, #tpu.memory_space<semaphore_mem>>
      %dma_start3A_168 = arith.constant 0 : i32
      %dma_start3A_169 = arith.constant 0 : i32
      %dma_start3A_170 = tpu.memref_slice %arg3[%arg1, %dma_start3A_168, %dma_start3A_169] : memref<16x157x128xi32, #tpu.memory_space<hbm>> -> memref<1x157x128xi32, #tpu.memory_space<hbm>>
      %dma_start3A_171 = tpu.memref_squeeze %dma_start3A_170 : memref<1x157x128xi32, #tpu.memory_space<hbm>> -> memref<157x128xi32, #tpu.memory_space<hbm>>
      %dma_start3A_172 = arith.constant 0 : i32
      %dma_start3A_173 = arith.constant 0 : i32
      %dma_start3A_174 = tpu.memref_slice %arg3[%arg1, %dma_start3A_172, %dma_start3A_173] : memref<16x157x128xi32, #tpu.memory_space<hbm>> -> memref<1x157x128xi32, #tpu.memory_space<hbm>>
      %dma_start3A_175 = tpu.memref_squeeze %dma_start3A_174 : memref<1x157x128xi32, #tpu.memory_space<hbm>> -> memref<157x128xi32, #tpu.memory_space<hbm>>
      tpu.enqueue_dma source(%dma_start3A_175 : memref<157x128xi32, #tpu.memory_space<hbm>>) target(%arg7 : memref<157x128xi32, #tpu.memory_space<vmem>>) target_semaphore(%run_scoped3A : memref<!tpu.dma_semaphore, #tpu.memory_space<semaphore_mem>>)
      %dma_wait3A_176 = arith.constant 0 : i32
      %dma_wait3A_177 = arith.constant 0 : i32
      %dma_wait3A_178 = tpu.memref_slice %arg3[%arg1, %dma_wait3A_176, %dma_wait3A_177] : memref<16x157x128xi32, #tpu.memory_space<hbm>> -> memref<1x157x128xi32, #tpu.memory_space<hbm>>
      %dma_wait3A_179 = tpu.memref_squeeze %dma_wait3A_178 : memref<1x157x128xi32, #tpu.memory_space<hbm>> -> memref<157x128xi32, #tpu.memory_space<hbm>>
      %dma_wait3A_180 = arith.constant 0 : i32
      %dma_wait3A_181 = arith.constant 0 : i32
      %dma_wait3A_182 = tpu.memref_slice %arg3[%arg1, %dma_wait3A_180, %dma_wait3A_181] : memref<16x157x128xi32, #tpu.memory_space<hbm>> -> memref<1x157x128xi32, #tpu.memory_space<hbm>>
      %dma_wait3A_183 = tpu.memref_squeeze %dma_wait3A_182 : memref<1x157x128xi32, #tpu.memory_space<hbm>> -> memref<157x128xi32, #tpu.memory_space<hbm>>
      tpu.wait_dma2 semaphore(%run_scoped3A : memref<!tpu.dma_semaphore, #tpu.memory_space<semaphore_mem>>) src(%dma_wait3A_183 : memref<157x128xi32, #tpu.memory_space<hbm>>) dst(%arg7 : memref<157x128xi32, #tpu.memory_space<vmem>>)
      tpu.yield
    }) : () -> ()
    %barrier3A = arith.constant 0 : index
    tpu.barrier barrier_id(%barrier3A)
    %rem3A = arith.constant 0 : i32
    %rem3A_1 = arith.constant 4 : i32
    %rem3A_2 = arith.remsi %rem3A, %rem3A_1 : i32
    %dma_start3A = arith.constant 0 : i32
    %dma_start3A_3 = arith.constant 0 : i32
    %dma_start3A_4 = arith.constant 0 : i32
    %dma_start3A_5 = tpu.memref_slice %arg8[%rem3A_2, %dma_start3A_3, %dma_start3A_4] : memref<4x128x32xf32, #tpu.memory_space<vmem>> -> memref<1x128x32xf32, #tpu.memory_space<vmem>>
    %dma_start3A_6 = tpu.memref_squeeze %dma_start3A_5 : memref<1x128x32xf32, #tpu.memory_space<vmem>> -> memref<128x32xf32, #tpu.memory_space<vmem>>
    %dma_start3A_7 = arith.constant 0 : i32
    %dma_start3A_8 = tpu.memref_slice %arg6[%dma_start3A, %dma_start3A_7] : memref<159x128xi32, #tpu.memory_space<vmem>> -> memref<1x128xi32, #tpu.memory_space<vmem>>
    %dma_start3A_9 = tpu.memref_squeeze %dma_start3A_8 : memref<1x128xi32, #tpu.memory_space<vmem>> -> memref<128xi32, #tpu.memory_space<vmem>>
    %dma_start3A_10 = arith.constant 0 : i32
    %dma_start3A_11 = arith.constant 0 : i32
    %dma_start3A_12 = tpu.memref_slice %arg4[%arg0, %dma_start3A_10, %dma_start3A_11] : memref<2x10240x32xf32, #tpu.memory_space<hbm>> -> memref<1x10240x32xf32, #tpu.memory_space<hbm>>
    %dma_start3A_13 = tpu.memref_squeeze %dma_start3A_12 : memref<1x10240x32xf32, #tpu.memory_space<hbm>> -> memref<10240x32xf32, #tpu.memory_space<hbm>>
    %dma_start3A_14 = arith.constant 0 : i32
    %dma_start3A_15 = arith.constant 0 : i32
    %dma_start3A_16 = tpu.memref_slice %dma_start3A_13[%dma_start3A_14, %dma_start3A_15] : memref<10240x32xf32, #tpu.memory_space<hbm>> -> memref<10240x32xf32, #tpu.memory_space<hbm>>
    tpu.enqueue_indirect_dma source(%dma_start3A_16 : memref<10240x32xf32, #tpu.memory_space<hbm>>) target(%dma_start3A_6 : memref<128x32xf32, #tpu.memory_space<vmem>>) offsets(%dma_start3A_9 : memref<128xi32, #tpu.memory_space<vmem>>) semaphore(%arg10 : memref<!tpu.dma_semaphore, #tpu.memory_space<semaphore_mem>>)
    %rem3A_17 = arith.constant 1 : i32
    %rem3A_18 = arith.constant 4 : i32
    %rem3A_19 = arith.remsi %rem3A_17, %rem3A_18 : i32
    %dma_start3A_20 = arith.constant 1 : i32
    %dma_start3A_21 = arith.constant 0 : i32
    %dma_start3A_22 = arith.constant 0 : i32
    %dma_start3A_23 = tpu.memref_slice %arg8[%rem3A_19, %dma_start3A_21, %dma_start3A_22] : memref<4x128x32xf32, #tpu.memory_space<vmem>> -> memref<1x128x32xf32, #tpu.memory_space<vmem>>
    %dma_start3A_24 = tpu.memref_squeeze %dma_start3A_23 : memref<1x128x32xf32, #tpu.memory_space<vmem>> -> memref<128x32xf32, #tpu.memory_space<vmem>>
    %dma_start3A_25 = arith.constant 0 : i32
    %dma_start3A_26 = tpu.memref_slice %arg6[%dma_start3A_20, %dma_start3A_25] : memref<159x128xi32, #tpu.memory_space<vmem>> -> memref<1x128xi32, #tpu.memory_space<vmem>>
    %dma_start3A_27 = tpu.memref_squeeze %dma_start3A_26 : memref<1x128xi32, #tpu.memory_space<vmem>> -> memref<128xi32, #tpu.memory_space<vmem>>
    %dma_start3A_28 = arith.constant 0 : i32
    %dma_start3A_29 = arith.constant 0 : i32
    %dma_start3A_30 = tpu.memref_slice %arg4[%arg0, %dma_start3A_28, %dma_start3A_29] : memref<2x10240x32xf32, #tpu.memory_space<hbm>> -> memref<1x10240x32xf32, #tpu.memory_space<hbm>>
    %dma_start3A_31 = tpu.memref_squeeze %dma_start3A_30 : memref<1x10240x32xf32, #tpu.memory_space<hbm>> -> memref<10240x32xf32, #tpu.memory_space<hbm>>
    %dma_start3A_32 = arith.constant 0 : i32
    %dma_start3A_33 = arith.constant 0 : i32
    %dma_start3A_34 = tpu.memref_slice %dma_start3A_31[%dma_start3A_32, %dma_start3A_33] : memref<10240x32xf32, #tpu.memory_space<hbm>> -> memref<10240x32xf32, #tpu.memory_space<hbm>>
    tpu.enqueue_indirect_dma source(%dma_start3A_34 : memref<10240x32xf32, #tpu.memory_space<hbm>>) target(%dma_start3A_24 : memref<128x32xf32, #tpu.memory_space<vmem>>) offsets(%dma_start3A_27 : memref<128xi32, #tpu.memory_space<vmem>>) semaphore(%arg11 : memref<!tpu.dma_semaphore, #tpu.memory_space<semaphore_mem>>)
    %scan3A = arith.constant 0 : i32
    %scan3A_35 = arith.constant 0 : i32
    %scan3A_36 = arith.constant 78 : i32
    %scan3A_37 = arith.addi %scan3A_35, %scan3A_36 : i32
    %scan3A_38 = arith.constant 1 : i32
    scf.for %scan3A_168 = %scan3A_35 to %scan3A_37 step %scan3A_38  : i32 {
      %mul3A_169 = arith.constant 2 : i32
      %mul3A_170 = arith.muli %mul3A_169, %scan3A_168 : i32
      %rem3A_171 = arith.constant 4 : i32
      %rem3A_172 = arith.remsi %mul3A_170, %rem3A_171 : i32
      %dma_wait3A_173 = arith.constant 0 : i32
      %dma_wait3A_174 = arith.constant 0 : i32
      %dma_wait3A_175 = tpu.memref_slice %arg8[%rem3A_172, %dma_wait3A_173, %dma_wait3A_174] : memref<4x128x32xf32, #tpu.memory_space<vmem>> -> memref<1x128x32xf32, #tpu.memory_space<vmem>>
      %dma_wait3A_176 = tpu.memref_squeeze %dma_wait3A_175 : memref<1x128x32xf32, #tpu.memory_space<vmem>> -> memref<128x32xf32, #tpu.memory_space<vmem>>
      %dma_wait3A_177 = arith.constant 0 : i32
      %dma_wait3A_178 = tpu.memref_slice %arg6[%mul3A_170, %dma_wait3A_177] : memref<159x128xi32, #tpu.memory_space<vmem>> -> memref<1x128xi32, #tpu.memory_space<vmem>>
      %dma_wait3A_179 = tpu.memref_squeeze %dma_wait3A_178 : memref<1x128xi32, #tpu.memory_space<vmem>> -> memref<128xi32, #tpu.memory_space<vmem>>
      %dma_wait3A_180 = arith.constant 0 : i32
      %dma_wait3A_181 = arith.constant 0 : i32
      %dma_wait3A_182 = tpu.memref_slice %arg4[%arg0, %dma_wait3A_180, %dma_wait3A_181] : memref<2x10240x32xf32, #tpu.memory_space<hbm>> -> memref<1x10240x32xf32, #tpu.memory_space<hbm>>
      %dma_wait3A_183 = tpu.memref_squeeze %dma_wait3A_182 : memref<1x10240x32xf32, #tpu.memory_space<hbm>> -> memref<10240x32xf32, #tpu.memory_space<hbm>>
      %dma_wait3A_184 = arith.constant 0 : i32
      %dma_wait3A_185 = arith.constant 0 : i32
      %dma_wait3A_186 = tpu.memref_slice %dma_wait3A_183[%dma_wait3A_184, %dma_wait3A_185] : memref<10240x32xf32, #tpu.memory_space<hbm>> -> memref<10240x32xf32, #tpu.memory_space<hbm>>
      tpu.wait_indirect_dma semaphore(%arg10 : memref<!tpu.dma_semaphore, #tpu.memory_space<semaphore_mem>>) src(%dma_wait3A_186 : memref<10240x32xf32, #tpu.memory_space<hbm>>) dst(%dma_wait3A_176 : memref<128x32xf32, #tpu.memory_space<vmem>>)
      %ge3A = arith.constant 2 : i32
      %ge3A_187 = arith.cmpi sge, %mul3A_170, %ge3A : i32
      %convert_element_type3A = arith.extui %ge3A_187 : i1 to i32
      %cond3A = arith.constant 0 : i32
      %cond3A_188 = arith.cmpi ne, %convert_element_type3A, %cond3A : i32
      scf.if %cond3A_188 {
        %sub3A = arith.constant 2 : i32
        %sub3A_271 = arith.subi %mul3A_170, %sub3A : i32
        %rem3A_272 = arith.constant 4 : i32
        %rem3A_273 = arith.remsi %sub3A_271, %rem3A_272 : i32
        %dma_wait3A_274 = arith.constant 0 : i32
        %dma_wait3A_275 = arith.constant 0 : i32
        %dma_wait3A_276 = tpu.memref_slice %arg8[%rem3A_273, %dma_wait3A_274, %dma_wait3A_275] : memref<4x128x32xf32, #tpu.memory_space<vmem>> -> memref<1x128x32xf32, #tpu.memory_space<vmem>>
        %dma_wait3A_277 = tpu.memref_squeeze %dma_wait3A_276 : memref<1x128x32xf32, #tpu.memory_space<vmem>> -> memref<128x32xf32, #tpu.memory_space<vmem>>
        %dma_wait3A_278 = arith.constant 0 : i32
        %dma_wait3A_279 = tpu.memref_slice %arg7[%sub3A_271, %dma_wait3A_278] : memref<157x128xi32, #tpu.memory_space<vmem>> -> memref<1x128xi32, #tpu.memory_space<vmem>>
        %dma_wait3A_280 = tpu.memref_squeeze %dma_wait3A_279 : memref<1x128xi32, #tpu.memory_space<vmem>> -> memref<128xi32, #tpu.memory_space<vmem>>
        %dma_wait3A_281 = arith.constant 0 : i32
        %dma_wait3A_282 = arith.constant 0 : i32
        %dma_wait3A_283 = tpu.memref_slice %arg9[%dma_wait3A_281, %dma_wait3A_282] : memref<10240x32xf32, #tpu.memory_space<vmem_shared>> -> memref<10240x32xf32, #tpu.memory_space<vmem_shared>>
        tpu.wait_indirect_dma semaphore(%arg12 : memref<!tpu.dma_semaphore, #tpu.memory_space<semaphore_mem>>) src(%dma_wait3A_277 : memref<128x32xf32, #tpu.memory_space<vmem>>) dst(%dma_wait3A_283 : memref<10240x32xf32, #tpu.memory_space<vmem_shared>>)
      } else {
      }
      %rem3A_189 = arith.constant 4 : i32
      %rem3A_190 = arith.remsi %mul3A_170, %rem3A_189 : i32
      %dma_start3A_191 = arith.constant 0 : i32
      %dma_start3A_192 = arith.constant 0 : i32
      %dma_start3A_193 = tpu.memref_slice %arg8[%rem3A_190, %dma_start3A_191, %dma_start3A_192] : memref<4x128x32xf32, #tpu.memory_space<vmem>> -> memref<1x128x32xf32, #tpu.memory_space<vmem>>
      %dma_start3A_194 = tpu.memref_squeeze %dma_start3A_193 : memref<1x128x32xf32, #tpu.memory_space<vmem>> -> memref<128x32xf32, #tpu.memory_space<vmem>>
      %dma_start3A_195 = arith.constant 0 : i32
      %dma_start3A_196 = tpu.memref_slice %arg7[%mul3A_170, %dma_start3A_195] : memref<157x128xi32, #tpu.memory_space<vmem>> -> memref<1x128xi32, #tpu.memory_space<vmem>>
      %dma_start3A_197 = tpu.memref_squeeze %dma_start3A_196 : memref<1x128xi32, #tpu.memory_space<vmem>> -> memref<128xi32, #tpu.memory_space<vmem>>
      %dma_start3A_198 = arith.constant 0 : i32
      %dma_start3A_199 = arith.constant 0 : i32
      %dma_start3A_200 = tpu.memref_slice %arg9[%dma_start3A_198, %dma_start3A_199] : memref<10240x32xf32, #tpu.memory_space<vmem_shared>> -> memref<10240x32xf32, #tpu.memory_space<vmem_shared>>
      tpu.enqueue_indirect_dma source(%dma_start3A_194 : memref<128x32xf32, #tpu.memory_space<vmem>>) target(%dma_start3A_200 : memref<10240x32xf32, #tpu.memory_space<vmem_shared>>) offsets(%dma_start3A_197 : memref<128xi32, #tpu.memory_space<vmem>>) semaphore(%arg12 : memref<!tpu.dma_semaphore, #tpu.memory_space<semaphore_mem>>) {add = true}
      %add3A = arith.constant 2 : i32
      %add3A_201 = arith.addi %mul3A_170, %add3A : i32
      %rem3A_202 = arith.constant 4 : i32
      %rem3A_203 = arith.remsi %add3A_201, %rem3A_202 : i32
      %dma_start3A_204 = arith.constant 0 : i32
      %dma_start3A_205 = arith.constant 0 : i32
      %dma_start3A_206 = tpu.memref_slice %arg8[%rem3A_203, %dma_start3A_204, %dma_start3A_205] : memref<4x128x32xf32, #tpu.memory_space<vmem>> -> memref<1x128x32xf32, #tpu.memory_space<vmem>>
      %dma_start3A_207 = tpu.memref_squeeze %dma_start3A_206 : memref<1x128x32xf32, #tpu.memory_space<vmem>> -> memref<128x32xf32, #tpu.memory_space<vmem>>
      %dma_start3A_208 = arith.constant 0 : i32
      %dma_start3A_209 = tpu.memref_slice %arg6[%add3A_201, %dma_start3A_208] : memref<159x128xi32, #tpu.memory_space<vmem>> -> memref<1x128xi32, #tpu.memory_space<vmem>>
      %dma_start3A_210 = tpu.memref_squeeze %dma_start3A_209 : memref<1x128xi32, #tpu.memory_space<vmem>> -> memref<128xi32, #tpu.memory_space<vmem>>
      %dma_start3A_211 = arith.constant 0 : i32
      %dma_start3A_212 = arith.constant 0 : i32
      %dma_start3A_213 = tpu.memref_slice %arg4[%arg0, %dma_start3A_211, %dma_start3A_212] : memref<2x10240x32xf32, #tpu.memory_space<hbm>> -> memref<1x10240x32xf32, #tpu.memory_space<hbm>>
      %dma_start3A_214 = tpu.memref_squeeze %dma_start3A_213 : memref<1x10240x32xf32, #tpu.memory_space<hbm>> -> memref<10240x32xf32, #tpu.memory_space<hbm>>
      %dma_start3A_215 = arith.constant 0 : i32
      %dma_start3A_216 = arith.constant 0 : i32
      %dma_start3A_217 = tpu.memref_slice %dma_start3A_214[%dma_start3A_215, %dma_start3A_216] : memref<10240x32xf32, #tpu.memory_space<hbm>> -> memref<10240x32xf32, #tpu.memory_space<hbm>>
      tpu.enqueue_indirect_dma source(%dma_start3A_217 : memref<10240x32xf32, #tpu.memory_space<hbm>>) target(%dma_start3A_207 : memref<128x32xf32, #tpu.memory_space<vmem>>) offsets(%dma_start3A_210 : memref<128xi32, #tpu.memory_space<vmem>>) semaphore(%arg10 : memref<!tpu.dma_semaphore, #tpu.memory_space<semaphore_mem>>)
      %add3A_218 = arith.constant 1 : i32
      %add3A_219 = arith.addi %mul3A_170, %add3A_218 : i32
      %rem3A_220 = arith.constant 4 : i32
      %rem3A_221 = arith.remsi %add3A_219, %rem3A_220 : i32
      %dma_wait3A_222 = arith.constant 0 : i32
      %dma_wait3A_223 = arith.constant 0 : i32
      %dma_wait3A_224 = tpu.memref_slice %arg8[%rem3A_221, %dma_wait3A_222, %dma_wait3A_223] : memref<4x128x32xf32, #tpu.memory_space<vmem>> -> memref<1x128x32xf32, #tpu.memory_space<vmem>>
      %dma_wait3A_225 = tpu.memref_squeeze %dma_wait3A_224 : memref<1x128x32xf32, #tpu.memory_space<vmem>> -> memref<128x32xf32, #tpu.memory_space<vmem>>
      %dma_wait3A_226 = arith.constant 0 : i32
      %dma_wait3A_227 = tpu.memref_slice %arg6[%add3A_219, %dma_wait3A_226] : memref<159x128xi32, #tpu.memory_space<vmem>> -> memref<1x128xi32, #tpu.memory_space<vmem>>
      %dma_wait3A_228 = tpu.memref_squeeze %dma_wait3A_227 : memref<1x128xi32, #tpu.memory_space<vmem>> -> memref<128xi32, #tpu.memory_space<vmem>>
      %dma_wait3A_229 = arith.constant 0 : i32
      %dma_wait3A_230 = arith.constant 0 : i32
      %dma_wait3A_231 = tpu.memref_slice %arg4[%arg0, %dma_wait3A_229, %dma_wait3A_230] : memref<2x10240x32xf32, #tpu.memory_space<hbm>> -> memref<1x10240x32xf32, #tpu.memory_space<hbm>>
      %dma_wait3A_232 = tpu.memref_squeeze %dma_wait3A_231 : memref<1x10240x32xf32, #tpu.memory_space<hbm>> -> memref<10240x32xf32, #tpu.memory_space<hbm>>
      %dma_wait3A_233 = arith.constant 0 : i32
      %dma_wait3A_234 = arith.constant 0 : i32
      %dma_wait3A_235 = tpu.memref_slice %dma_wait3A_232[%dma_wait3A_233, %dma_wait3A_234] : memref<10240x32xf32, #tpu.memory_space<hbm>> -> memref<10240x32xf32, #tpu.memory_space<hbm>>
      tpu.wait_indirect_dma semaphore(%arg11 : memref<!tpu.dma_semaphore, #tpu.memory_space<semaphore_mem>>) src(%dma_wait3A_235 : memref<10240x32xf32, #tpu.memory_space<hbm>>) dst(%dma_wait3A_225 : memref<128x32xf32, #tpu.memory_space<vmem>>)
      %ge3A_236 = arith.constant 2 : i32
      %ge3A_237 = arith.cmpi sge, %add3A_219, %ge3A_236 : i32
      %convert_element_type3A_238 = arith.extui %ge3A_237 : i1 to i32
      %cond3A_239 = arith.constant 0 : i32
      %cond3A_240 = arith.cmpi ne, %convert_element_type3A_238, %cond3A_239 : i32
      scf.if %cond3A_240 {
        %sub3A = arith.constant 2 : i32
        %sub3A_271 = arith.subi %add3A_219, %sub3A : i32
        %rem3A_272 = arith.constant 4 : i32
        %rem3A_273 = arith.remsi %sub3A_271, %rem3A_272 : i32
        %dma_wait3A_274 = arith.constant 0 : i32
        %dma_wait3A_275 = arith.constant 0 : i32
        %dma_wait3A_276 = tpu.memref_slice %arg8[%rem3A_273, %dma_wait3A_274, %dma_wait3A_275] : memref<4x128x32xf32, #tpu.memory_space<vmem>> -> memref<1x128x32xf32, #tpu.memory_space<vmem>>
        %dma_wait3A_277 = tpu.memref_squeeze %dma_wait3A_276 : memref<1x128x32xf32, #tpu.memory_space<vmem>> -> memref<128x32xf32, #tpu.memory_space<vmem>>
        %dma_wait3A_278 = arith.constant 0 : i32
        %dma_wait3A_279 = tpu.memref_slice %arg7[%sub3A_271, %dma_wait3A_278] : memref<157x128xi32, #tpu.memory_space<vmem>> -> memref<1x128xi32, #tpu.memory_space<vmem>>
        %dma_wait3A_280 = tpu.memref_squeeze %dma_wait3A_279 : memref<1x128xi32, #tpu.memory_space<vmem>> -> memref<128xi32, #tpu.memory_space<vmem>>
        %dma_wait3A_281 = arith.constant 0 : i32
        %dma_wait3A_282 = arith.constant 0 : i32
        %dma_wait3A_283 = tpu.memref_slice %arg9[%dma_wait3A_281, %dma_wait3A_282] : memref<10240x32xf32, #tpu.memory_space<vmem_shared>> -> memref<10240x32xf32, #tpu.memory_space<vmem_shared>>
        tpu.wait_indirect_dma semaphore(%arg13 : memref<!tpu.dma_semaphore, #tpu.memory_space<semaphore_mem>>) src(%dma_wait3A_277 : memref<128x32xf32, #tpu.memory_space<vmem>>) dst(%dma_wait3A_283 : memref<10240x32xf32, #tpu.memory_space<vmem_shared>>)
      } else {
      }
      %rem3A_241 = arith.constant 4 : i32
      %rem3A_242 = arith.remsi %add3A_219, %rem3A_241 : i32
      %dma_start3A_243 = arith.constant 0 : i32
      %dma_start3A_244 = arith.constant 0 : i32
      %dma_start3A_245 = tpu.memref_slice %arg8[%rem3A_242, %dma_start3A_243, %dma_start3A_244] : memref<4x128x32xf32, #tpu.memory_space<vmem>> -> memref<1x128x32xf32, #tpu.memory_space<vmem>>
      %dma_start3A_246 = tpu.memref_squeeze %dma_start3A_245 : memref<1x128x32xf32, #tpu.memory_space<vmem>> -> memref<128x32xf32, #tpu.memory_space<vmem>>
      %dma_start3A_247 = arith.constant 0 : i32
      %dma_start3A_248 = tpu.memref_slice %arg7[%add3A_219, %dma_start3A_247] : memref<157x128xi32, #tpu.memory_space<vmem>> -> memref<1x128xi32, #tpu.memory_space<vmem>>
      %dma_start3A_249 = tpu.memref_squeeze %dma_start3A_248 : memref<1x128xi32, #tpu.memory_space<vmem>> -> memref<128xi32, #tpu.memory_space<vmem>>
      %dma_start3A_250 = arith.constant 0 : i32
      %dma_start3A_251 = arith.constant 0 : i32
      %dma_start3A_252 = tpu.memref_slice %arg9[%dma_start3A_250, %dma_start3A_251] : memref<10240x32xf32, #tpu.memory_space<vmem_shared>> -> memref<10240x32xf32, #tpu.memory_space<vmem_shared>>
      tpu.enqueue_indirect_dma source(%dma_start3A_246 : memref<128x32xf32, #tpu.memory_space<vmem>>) target(%dma_start3A_252 : memref<10240x32xf32, #tpu.memory_space<vmem_shared>>) offsets(%dma_start3A_249 : memref<128xi32, #tpu.memory_space<vmem>>) semaphore(%arg13 : memref<!tpu.dma_semaphore, #tpu.memory_space<semaphore_mem>>) {add = true}
      %add3A_253 = arith.constant 2 : i32
      %add3A_254 = arith.addi %add3A_219, %add3A_253 : i32
      %rem3A_255 = arith.constant 4 : i32
      %rem3A_256 = arith.remsi %add3A_254, %rem3A_255 : i32
      %dma_start3A_257 = arith.constant 0 : i32
      %dma_start3A_258 = arith.constant 0 : i32
      %dma_start3A_259 = tpu.memref_slice %arg8[%rem3A_256, %dma_start3A_257, %dma_start3A_258] : memref<4x128x32xf32, #tpu.memory_space<vmem>> -> memref<1x128x32xf32, #tpu.memory_space<vmem>>
      %dma_start3A_260 = tpu.memref_squeeze %dma_start3A_259 : memref<1x128x32xf32, #tpu.memory_space<vmem>> -> memref<128x32xf32, #tpu.memory_space<vmem>>
      %dma_start3A_261 = arith.constant 0 : i32
      %dma_start3A_262 = tpu.memref_slice %arg6[%add3A_254, %dma_start3A_261] : memref<159x128xi32, #tpu.memory_space<vmem>> -> memref<1x128xi32, #tpu.memory_space<vmem>>
      %dma_start3A_263 = tpu.memref_squeeze %dma_start3A_262 : memref<1x128xi32, #tpu.memory_space<vmem>> -> memref<128xi32, #tpu.memory_space<vmem>>
      %dma_start3A_264 = arith.constant 0 : i32
      %dma_start3A_265 = arith.constant 0 : i32
      %dma_start3A_266 = tpu.memref_slice %arg4[%arg0, %dma_start3A_264, %dma_start3A_265] : memref<2x10240x32xf32, #tpu.memory_space<hbm>> -> memref<1x10240x32xf32, #tpu.memory_space<hbm>>
      %dma_start3A_267 = tpu.memref_squeeze %dma_start3A_266 : memref<1x10240x32xf32, #tpu.memory_space<hbm>> -> memref<10240x32xf32, #tpu.memory_space<hbm>>
      %dma_start3A_268 = arith.constant 0 : i32
      %dma_start3A_269 = arith.constant 0 : i32
      %dma_start3A_270 = tpu.memref_slice %dma_start3A_267[%dma_start3A_268, %dma_start3A_269] : memref<10240x32xf32, #tpu.memory_space<hbm>> -> memref<10240x32xf32, #tpu.memory_space<hbm>>
      tpu.enqueue_indirect_dma source(%dma_start3A_270 : memref<10240x32xf32, #tpu.memory_space<hbm>>) target(%dma_start3A_260 : memref<128x32xf32, #tpu.memory_space<vmem>>) offsets(%dma_start3A_263 : memref<128xi32, #tpu.memory_space<vmem>>) semaphore(%arg11 : memref<!tpu.dma_semaphore, #tpu.memory_space<semaphore_mem>>)
    }
    %scan3A_39 = arith.constant 78 : i32
    %rem3A_40 = arith.constant 156 : i32
    %rem3A_41 = arith.constant 4 : i32
    %rem3A_42 = arith.remsi %rem3A_40, %rem3A_41 : i32
    %dma_wait3A = arith.constant 156 : i32
    %dma_wait3A_43 = arith.constant 0 : i32
    %dma_wait3A_44 = arith.constant 0 : i32
    %dma_wait3A_45 = tpu.memref_slice %arg8[%rem3A_42, %dma_wait3A_43, %dma_wait3A_44] : memref<4x128x32xf32, #tpu.memory_space<vmem>> -> memref<1x128x32xf32, #tpu.memory_space<vmem>>
    %dma_wait3A_46 = tpu.memref_squeeze %dma_wait3A_45 : memref<1x128x32xf32, #tpu.memory_space<vmem>> -> memref<128x32xf32, #tpu.memory_space<vmem>>
    %dma_wait3A_47 = arith.constant 0 : i32
    %dma_wait3A_48 = tpu.memref_slice %arg6[%dma_wait3A, %dma_wait3A_47] : memref<159x128xi32, #tpu.memory_space<vmem>> -> memref<1x128xi32, #tpu.memory_space<vmem>>
    %dma_wait3A_49 = tpu.memref_squeeze %dma_wait3A_48 : memref<1x128xi32, #tpu.memory_space<vmem>> -> memref<128xi32, #tpu.memory_space<vmem>>
    %dma_wait3A_50 = arith.constant 0 : i32
    %dma_wait3A_51 = arith.constant 0 : i32
    %dma_wait3A_52 = tpu.memref_slice %arg4[%arg0, %dma_wait3A_50, %dma_wait3A_51] : memref<2x10240x32xf32, #tpu.memory_space<hbm>> -> memref<1x10240x32xf32, #tpu.memory_space<hbm>>
    %dma_wait3A_53 = tpu.memref_squeeze %dma_wait3A_52 : memref<1x10240x32xf32, #tpu.memory_space<hbm>> -> memref<10240x32xf32, #tpu.memory_space<hbm>>
    %dma_wait3A_54 = arith.constant 0 : i32
    %dma_wait3A_55 = arith.constant 0 : i32
    %dma_wait3A_56 = tpu.memref_slice %dma_wait3A_53[%dma_wait3A_54, %dma_wait3A_55] : memref<10240x32xf32, #tpu.memory_space<hbm>> -> memref<10240x32xf32, #tpu.memory_space<hbm>>
    tpu.wait_indirect_dma semaphore(%arg10 : memref<!tpu.dma_semaphore, #tpu.memory_space<semaphore_mem>>) src(%dma_wait3A_56 : memref<10240x32xf32, #tpu.memory_space<hbm>>) dst(%dma_wait3A_46 : memref<128x32xf32, #tpu.memory_space<vmem>>)
    %rem3A_57 = arith.constant 154 : i32
    %rem3A_58 = arith.constant 4 : i32
    %rem3A_59 = arith.remsi %rem3A_57, %rem3A_58 : i32
    %dma_wait3A_60 = arith.constant 154 : i32
    %dma_wait3A_61 = arith.constant 0 : i32
    %dma_wait3A_62 = arith.constant 0 : i32
    %dma_wait3A_63 = tpu.memref_slice %arg8[%rem3A_59, %dma_wait3A_61, %dma_wait3A_62] : memref<4x128x32xf32, #tpu.memory_space<vmem>> -> memref<1x128x32xf32, #tpu.memory_space<vmem>>
    %dma_wait3A_64 = tpu.memref_squeeze %dma_wait3A_63 : memref<1x128x32xf32, #tpu.memory_space<vmem>> -> memref<128x32xf32, #tpu.memory_space<vmem>>
    %dma_wait3A_65 = arith.constant 0 : i32
    %dma_wait3A_66 = tpu.memref_slice %arg7[%dma_wait3A_60, %dma_wait3A_65] : memref<157x128xi32, #tpu.memory_space<vmem>> -> memref<1x128xi32, #tpu.memory_space<vmem>>
    %dma_wait3A_67 = tpu.memref_squeeze %dma_wait3A_66 : memref<1x128xi32, #tpu.memory_space<vmem>> -> memref<128xi32, #tpu.memory_space<vmem>>
    %dma_wait3A_68 = arith.constant 0 : i32
    %dma_wait3A_69 = arith.constant 0 : i32
    %dma_wait3A_70 = tpu.memref_slice %arg9[%dma_wait3A_68, %dma_wait3A_69] : memref<10240x32xf32, #tpu.memory_space<vmem_shared>> -> memref<10240x32xf32, #tpu.memory_space<vmem_shared>>
    tpu.wait_indirect_dma semaphore(%arg12 : memref<!tpu.dma_semaphore, #tpu.memory_space<semaphore_mem>>) src(%dma_wait3A_64 : memref<128x32xf32, #tpu.memory_space<vmem>>) dst(%dma_wait3A_70 : memref<10240x32xf32, #tpu.memory_space<vmem_shared>>)
    %rem3A_71 = arith.constant 156 : i32
    %rem3A_72 = arith.constant 4 : i32
    %rem3A_73 = arith.remsi %rem3A_71, %rem3A_72 : i32
    %dma_start3A_74 = arith.constant 156 : i32
    %dma_start3A_75 = arith.constant 0 : i32
    %dma_start3A_76 = arith.constant 0 : i32
    %dma_start3A_77 = tpu.memref_slice %arg8[%rem3A_73, %dma_start3A_75, %dma_start3A_76] : memref<4x128x32xf32, #tpu.memory_space<vmem>> -> memref<1x128x32xf32, #tpu.memory_space<vmem>>
    %dma_start3A_78 = tpu.memref_squeeze %dma_start3A_77 : memref<1x128x32xf32, #tpu.memory_space<vmem>> -> memref<128x32xf32, #tpu.memory_space<vmem>>
    %dma_start3A_79 = arith.constant 0 : i32
    %dma_start3A_80 = tpu.memref_slice %arg7[%dma_start3A_74, %dma_start3A_79] : memref<157x128xi32, #tpu.memory_space<vmem>> -> memref<1x128xi32, #tpu.memory_space<vmem>>
    %dma_start3A_81 = tpu.memref_squeeze %dma_start3A_80 : memref<1x128xi32, #tpu.memory_space<vmem>> -> memref<128xi32, #tpu.memory_space<vmem>>
    %dma_start3A_82 = arith.constant 0 : i32
    %dma_start3A_83 = arith.constant 0 : i32
    %dma_start3A_84 = tpu.memref_slice %arg9[%dma_start3A_82, %dma_start3A_83] : memref<10240x32xf32, #tpu.memory_space<vmem_shared>> -> memref<10240x32xf32, #tpu.memory_space<vmem_shared>>
    tpu.enqueue_indirect_dma source(%dma_start3A_78 : memref<128x32xf32, #tpu.memory_space<vmem>>) target(%dma_start3A_84 : memref<10240x32xf32, #tpu.memory_space<vmem_shared>>) offsets(%dma_start3A_81 : memref<128xi32, #tpu.memory_space<vmem>>) semaphore(%arg12 : memref<!tpu.dma_semaphore, #tpu.memory_space<semaphore_mem>>) {add = true}
    %rem3A_85 = arith.constant 158 : i32
    %rem3A_86 = arith.constant 4 : i32
    %rem3A_87 = arith.remsi %rem3A_85, %rem3A_86 : i32
    %dma_start3A_88 = arith.constant 158 : i32
    %dma_start3A_89 = arith.constant 0 : i32
    %dma_start3A_90 = arith.constant 0 : i32
    %dma_start3A_91 = tpu.memref_slice %arg8[%rem3A_87, %dma_start3A_89, %dma_start3A_90] : memref<4x128x32xf32, #tpu.memory_space<vmem>> -> memref<1x128x32xf32, #tpu.memory_space<vmem>>
    %dma_start3A_92 = tpu.memref_squeeze %dma_start3A_91 : memref<1x128x32xf32, #tpu.memory_space<vmem>> -> memref<128x32xf32, #tpu.memory_space<vmem>>
    %dma_start3A_93 = arith.constant 0 : i32
    %dma_start3A_94 = tpu.memref_slice %arg6[%dma_start3A_88, %dma_start3A_93] : memref<159x128xi32, #tpu.memory_space<vmem>> -> memref<1x128xi32, #tpu.memory_space<vmem>>
    %dma_start3A_95 = tpu.memref_squeeze %dma_start3A_94 : memref<1x128xi32, #tpu.memory_space<vmem>> -> memref<128xi32, #tpu.memory_space<vmem>>
    %dma_start3A_96 = arith.constant 0 : i32
    %dma_start3A_97 = arith.constant 0 : i32
    %dma_start3A_98 = tpu.memref_slice %arg4[%arg0, %dma_start3A_96, %dma_start3A_97] : memref<2x10240x32xf32, #tpu.memory_space<hbm>> -> memref<1x10240x32xf32, #tpu.memory_space<hbm>>
    %dma_start3A_99 = tpu.memref_squeeze %dma_start3A_98 : memref<1x10240x32xf32, #tpu.memory_space<hbm>> -> memref<10240x32xf32, #tpu.memory_space<hbm>>
    %dma_start3A_100 = arith.constant 0 : i32
    %dma_start3A_101 = arith.constant 0 : i32
    %dma_start3A_102 = tpu.memref_slice %dma_start3A_99[%dma_start3A_100, %dma_start3A_101] : memref<10240x32xf32, #tpu.memory_space<hbm>> -> memref<10240x32xf32, #tpu.memory_space<hbm>>
    tpu.enqueue_indirect_dma source(%dma_start3A_102 : memref<10240x32xf32, #tpu.memory_space<hbm>>) target(%dma_start3A_92 : memref<128x32xf32, #tpu.memory_space<vmem>>) offsets(%dma_start3A_95 : memref<128xi32, #tpu.memory_space<vmem>>) semaphore(%arg10 : memref<!tpu.dma_semaphore, #tpu.memory_space<semaphore_mem>>)
    %rem3A_103 = arith.constant 157 : i32
    %rem3A_104 = arith.constant 4 : i32
    %rem3A_105 = arith.remsi %rem3A_103, %rem3A_104 : i32
    %dma_wait3A_106 = arith.constant 157 : i32
    %dma_wait3A_107 = arith.constant 0 : i32
    %dma_wait3A_108 = arith.constant 0 : i32
    %dma_wait3A_109 = tpu.memref_slice %arg8[%rem3A_105, %dma_wait3A_107, %dma_wait3A_108] : memref<4x128x32xf32, #tpu.memory_space<vmem>> -> memref<1x128x32xf32, #tpu.memory_space<vmem>>
    %dma_wait3A_110 = tpu.memref_squeeze %dma_wait3A_109 : memref<1x128x32xf32, #tpu.memory_space<vmem>> -> memref<128x32xf32, #tpu.memory_space<vmem>>
    %dma_wait3A_111 = arith.constant 0 : i32
    %dma_wait3A_112 = tpu.memref_slice %arg6[%dma_wait3A_106, %dma_wait3A_111] : memref<159x128xi32, #tpu.memory_space<vmem>> -> memref<1x128xi32, #tpu.memory_space<vmem>>
    %dma_wait3A_113 = tpu.memref_squeeze %dma_wait3A_112 : memref<1x128xi32, #tpu.memory_space<vmem>> -> memref<128xi32, #tpu.memory_space<vmem>>
    %dma_wait3A_114 = arith.constant 0 : i32
    %dma_wait3A_115 = arith.constant 0 : i32
    %dma_wait3A_116 = tpu.memref_slice %arg4[%arg0, %dma_wait3A_114, %dma_wait3A_115] : memref<2x10240x32xf32, #tpu.memory_space<hbm>> -> memref<1x10240x32xf32, #tpu.memory_space<hbm>>
    %dma_wait3A_117 = tpu.memref_squeeze %dma_wait3A_116 : memref<1x10240x32xf32, #tpu.memory_space<hbm>> -> memref<10240x32xf32, #tpu.memory_space<hbm>>
    %dma_wait3A_118 = arith.constant 0 : i32
    %dma_wait3A_119 = arith.constant 0 : i32
    %dma_wait3A_120 = tpu.memref_slice %dma_wait3A_117[%dma_wait3A_118, %dma_wait3A_119] : memref<10240x32xf32, #tpu.memory_space<hbm>> -> memref<10240x32xf32, #tpu.memory_space<hbm>>
    tpu.wait_indirect_dma semaphore(%arg11 : memref<!tpu.dma_semaphore, #tpu.memory_space<semaphore_mem>>) src(%dma_wait3A_120 : memref<10240x32xf32, #tpu.memory_space<hbm>>) dst(%dma_wait3A_110 : memref<128x32xf32, #tpu.memory_space<vmem>>)
    %rem3A_121 = arith.constant 158 : i32
    %rem3A_122 = arith.constant 4 : i32
    %rem3A_123 = arith.remsi %rem3A_121, %rem3A_122 : i32
    %dma_wait3A_124 = arith.constant 158 : i32
    %dma_wait3A_125 = arith.constant 0 : i32
    %dma_wait3A_126 = arith.constant 0 : i32
    %dma_wait3A_127 = tpu.memref_slice %arg8[%rem3A_123, %dma_wait3A_125, %dma_wait3A_126] : memref<4x128x32xf32, #tpu.memory_space<vmem>> -> memref<1x128x32xf32, #tpu.memory_space<vmem>>
    %dma_wait3A_128 = tpu.memref_squeeze %dma_wait3A_127 : memref<1x128x32xf32, #tpu.memory_space<vmem>> -> memref<128x32xf32, #tpu.memory_space<vmem>>
    %dma_wait3A_129 = arith.constant 0 : i32
    %dma_wait3A_130 = tpu.memref_slice %arg6[%dma_wait3A_124, %dma_wait3A_129] : memref<159x128xi32, #tpu.memory_space<vmem>> -> memref<1x128xi32, #tpu.memory_space<vmem>>
    %dma_wait3A_131 = tpu.memref_squeeze %dma_wait3A_130 : memref<1x128xi32, #tpu.memory_space<vmem>> -> memref<128xi32, #tpu.memory_space<vmem>>
    %dma_wait3A_132 = arith.constant 0 : i32
    %dma_wait3A_133 = arith.constant 0 : i32
    %dma_wait3A_134 = tpu.memref_slice %arg4[%arg0, %dma_wait3A_132, %dma_wait3A_133] : memref<2x10240x32xf32, #tpu.memory_space<hbm>> -> memref<1x10240x32xf32, #tpu.memory_space<hbm>>
    %dma_wait3A_135 = tpu.memref_squeeze %dma_wait3A_134 : memref<1x10240x32xf32, #tpu.memory_space<hbm>> -> memref<10240x32xf32, #tpu.memory_space<hbm>>
    %dma_wait3A_136 = arith.constant 0 : i32
    %dma_wait3A_137 = arith.constant 0 : i32
    %dma_wait3A_138 = tpu.memref_slice %dma_wait3A_135[%dma_wait3A_136, %dma_wait3A_137] : memref<10240x32xf32, #tpu.memory_space<hbm>> -> memref<10240x32xf32, #tpu.memory_space<hbm>>
    tpu.wait_indirect_dma semaphore(%arg10 : memref<!tpu.dma_semaphore, #tpu.memory_space<semaphore_mem>>) src(%dma_wait3A_138 : memref<10240x32xf32, #tpu.memory_space<hbm>>) dst(%dma_wait3A_128 : memref<128x32xf32, #tpu.memory_space<vmem>>)
    %rem3A_139 = arith.constant 155 : i32
    %rem3A_140 = arith.constant 4 : i32
    %rem3A_141 = arith.remsi %rem3A_139, %rem3A_140 : i32
    %dma_wait3A_142 = arith.constant 155 : i32
    %dma_wait3A_143 = arith.constant 0 : i32
    %dma_wait3A_144 = arith.constant 0 : i32
    %dma_wait3A_145 = tpu.memref_slice %arg8[%rem3A_141, %dma_wait3A_143, %dma_wait3A_144] : memref<4x128x32xf32, #tpu.memory_space<vmem>> -> memref<1x128x32xf32, #tpu.memory_space<vmem>>
    %dma_wait3A_146 = tpu.memref_squeeze %dma_wait3A_145 : memref<1x128x32xf32, #tpu.memory_space<vmem>> -> memref<128x32xf32, #tpu.memory_space<vmem>>
    %dma_wait3A_147 = arith.constant 0 : i32
    %dma_wait3A_148 = tpu.memref_slice %arg7[%dma_wait3A_142, %dma_wait3A_147] : memref<157x128xi32, #tpu.memory_space<vmem>> -> memref<1x128xi32, #tpu.memory_space<vmem>>
    %dma_wait3A_149 = tpu.memref_squeeze %dma_wait3A_148 : memref<1x128xi32, #tpu.memory_space<vmem>> -> memref<128xi32, #tpu.memory_space<vmem>>
    %dma_wait3A_150 = arith.constant 0 : i32
    %dma_wait3A_151 = arith.constant 0 : i32
    %dma_wait3A_152 = tpu.memref_slice %arg9[%dma_wait3A_150, %dma_wait3A_151] : memref<10240x32xf32, #tpu.memory_space<vmem_shared>> -> memref<10240x32xf32, #tpu.memory_space<vmem_shared>>
    tpu.wait_indirect_dma semaphore(%arg13 : memref<!tpu.dma_semaphore, #tpu.memory_space<semaphore_mem>>) src(%dma_wait3A_146 : memref<128x32xf32, #tpu.memory_space<vmem>>) dst(%dma_wait3A_152 : memref<10240x32xf32, #tpu.memory_space<vmem_shared>>)
    %rem3A_153 = arith.constant 156 : i32
    %rem3A_154 = arith.constant 4 : i32
    %rem3A_155 = arith.remsi %rem3A_153, %rem3A_154 : i32
    %dma_wait3A_156 = arith.constant 156 : i32
    %dma_wait3A_157 = arith.constant 0 : i32
    %dma_wait3A_158 = arith.constant 0 : i32
    %dma_wait3A_159 = tpu.memref_slice %arg8[%rem3A_155, %dma_wait3A_157, %dma_wait3A_158] : memref<4x128x32xf32, #tpu.memory_space<vmem>> -> memref<1x128x32xf32, #tpu.memory_space<vmem>>
    %dma_wait3A_160 = tpu.memref_squeeze %dma_wait3A_159 : memref<1x128x32xf32, #tpu.memory_space<vmem>> -> memref<128x32xf32, #tpu.memory_space<vmem>>
    %dma_wait3A_161 = arith.constant 0 : i32
    %dma_wait3A_162 = tpu.memref_slice %arg7[%dma_wait3A_156, %dma_wait3A_161] : memref<157x128xi32, #tpu.memory_space<vmem>> -> memref<1x128xi32, #tpu.memory_space<vmem>>
    %dma_wait3A_163 = tpu.memref_squeeze %dma_wait3A_162 : memref<1x128xi32, #tpu.memory_space<vmem>> -> memref<128xi32, #tpu.memory_space<vmem>>
    %dma_wait3A_164 = arith.constant 0 : i32
    %dma_wait3A_165 = arith.constant 0 : i32
    %dma_wait3A_166 = tpu.memref_slice %arg9[%dma_wait3A_164, %dma_wait3A_165] : memref<10240x32xf32, #tpu.memory_space<vmem_shared>> -> memref<10240x32xf32, #tpu.memory_space<vmem_shared>>
    tpu.wait_indirect_dma semaphore(%arg12 : memref<!tpu.dma_semaphore, #tpu.memory_space<semaphore_mem>>) src(%dma_wait3A_160 : memref<128x32xf32, #tpu.memory_space<vmem>>) dst(%dma_wait3A_166 : memref<10240x32xf32, #tpu.memory_space<vmem_shared>>)
    %barrier3A_167 = arith.constant 0 : index
    tpu.barrier barrier_id(%barrier3A_167)
    "tpu.region"() ({
      %run_scoped3A = tpu.sem_alloc : memref<!tpu.dma_semaphore, #tpu.memory_space<semaphore_mem>>
      %dma_start3A_168 = arith.constant 0 : i32
      %dma_start3A_169 = tpu.memref_slice %arg5[%arg0, %mul3A_0, %dma_start3A_168] : memref<2x10240x32xf32, #tpu.memory_space<hbm>> -> memref<1x640x32xf32, #tpu.memory_space<hbm>>
      %dma_start3A_170 = tpu.memref_squeeze %dma_start3A_169 : memref<1x640x32xf32, #tpu.memory_space<hbm>> -> memref<640x32xf32, #tpu.memory_space<hbm>>
      %dma_start3A_171 = arith.constant 0 : i32
      %dma_start3A_172 = tpu.memref_slice %arg9[%mul3A_0, %dma_start3A_171] : memref<10240x32xf32, #tpu.memory_space<vmem_shared>> -> memref<640x32xf32, #tpu.memory_space<vmem_shared>>
      tpu.enqueue_dma source(%dma_start3A_172 : memref<640x32xf32, #tpu.memory_space<vmem_shared>>) target(%dma_start3A_170 : memref<640x32xf32, #tpu.memory_space<hbm>>) target_semaphore(%run_scoped3A : memref<!tpu.dma_semaphore, #tpu.memory_space<semaphore_mem>>)
      %dma_wait3A_173 = arith.constant 0 : i32
      %dma_wait3A_174 = tpu.memref_slice %arg5[%arg0, %mul3A_0, %dma_wait3A_173] : memref<2x10240x32xf32, #tpu.memory_space<hbm>> -> memref<1x640x32xf32, #tpu.memory_space<hbm>>
      %dma_wait3A_175 = tpu.memref_squeeze %dma_wait3A_174 : memref<1x640x32xf32, #tpu.memory_space<hbm>> -> memref<640x32xf32, #tpu.memory_space<hbm>>
      %dma_wait3A_176 = arith.constant 0 : i32
      %dma_wait3A_177 = tpu.memref_slice %arg9[%mul3A_0, %dma_wait3A_176] : memref<10240x32xf32, #tpu.memory_space<vmem_shared>> -> memref<640x32xf32, #tpu.memory_space<vmem_shared>>
      tpu.wait_dma2 semaphore(%run_scoped3A : memref<!tpu.dma_semaphore, #tpu.memory_space<semaphore_mem>>) src(%dma_wait3A_177 : memref<640x32xf32, #tpu.memory_space<vmem_shared>>) dst(%dma_wait3A_175 : memref<640x32xf32, #tpu.memory_space<hbm>>)
      tpu.yield
    }) : () -> ()
    return
  }
}

#map = affine_map<(d0, d1) -> (0, 0, 0)>
#map1 = affine_map<(d0, d1) -> (0)>
#map2 = affine_map<(d0, d1) -> (0, 0)>
module attributes {stable_mosaic.version = 14 : i64} {
  func.func @_degree_kernel(%arg0: i32, %arg1: i32, %arg2: memref<32x79x128xi32, #tpu.memory_space<hbm>>, %arg3: memref<128xf32, #tpu.memory_space<hbm>>, %arg4: memref<640xf32, #tpu.memory_space<hbm>>, %arg5: memref<2x10240xf32, #tpu.memory_space<hbm>>, %arg6: memref<79x128xi32, #tpu.memory_space<vmem>>, %arg7: memref<128xf32, #tpu.memory_space<vmem>>, %arg8: memref<10240xf32, #tpu.memory_space<vmem_shared>>) attributes {dimension_semantics = [#tpu.dimension_semantics<core_parallel>, #tpu.dimension_semantics<subcore_parallel>], iteration_bounds = array<i64: 2, 16>, scalar_prefetch = 0 : i64, scratch_operands = 3 : i64, tpu.core_type = #tpu.core_type<sc_vector_subcore>, window_params = [{transform_indices = #map}, {transform_indices = #map1}, {transform_indices = #map1}, {transform_indices = #map2}]} {
    %mul3A = arith.constant 2 : i32
    %mul3A_0 = arith.muli %arg1, %mul3A : i32
    %add3A = arith.addi %mul3A_0, %arg0 : i32
    %mul3A_1 = arith.constant 640 : i32
    %mul3A_2 = arith.muli %arg1, %mul3A_1 : i32
    "tpu.region"() ({
      %run_scoped3A = tpu.sem_alloc : memref<!tpu.dma_semaphore, #tpu.memory_space<semaphore_mem>>
      %dma_start3A = tpu.memref_slice %arg8[%mul3A_2] : memref<10240xf32, #tpu.memory_space<vmem_shared>> -> memref<640xf32, #tpu.memory_space<vmem_shared>>
      tpu.enqueue_dma source(%arg4 : memref<640xf32, #tpu.memory_space<hbm>>) target(%dma_start3A : memref<640xf32, #tpu.memory_space<vmem_shared>>) target_semaphore(%run_scoped3A : memref<!tpu.dma_semaphore, #tpu.memory_space<semaphore_mem>>)
      %dma_wait3A = tpu.memref_slice %arg8[%mul3A_2] : memref<10240xf32, #tpu.memory_space<vmem_shared>> -> memref<640xf32, #tpu.memory_space<vmem_shared>>
      tpu.wait_dma2 semaphore(%run_scoped3A : memref<!tpu.dma_semaphore, #tpu.memory_space<semaphore_mem>>) src(%arg4 : memref<640xf32, #tpu.memory_space<hbm>>) dst(%dma_wait3A : memref<640xf32, #tpu.memory_space<vmem_shared>>)
      tpu.yield
    }) : () -> ()
    "tpu.region"() ({
      %run_scoped3A = tpu.sem_alloc : memref<!tpu.dma_semaphore, #tpu.memory_space<semaphore_mem>>
      tpu.enqueue_dma source(%arg3 : memref<128xf32, #tpu.memory_space<hbm>>) target(%arg7 : memref<128xf32, #tpu.memory_space<vmem>>) target_semaphore(%run_scoped3A : memref<!tpu.dma_semaphore, #tpu.memory_space<semaphore_mem>>)
      tpu.wait_dma2 semaphore(%run_scoped3A : memref<!tpu.dma_semaphore, #tpu.memory_space<semaphore_mem>>) src(%arg3 : memref<128xf32, #tpu.memory_space<hbm>>) dst(%arg7 : memref<128xf32, #tpu.memory_space<vmem>>)
      tpu.yield
    }) : () -> ()
    "tpu.region"() ({
      %run_scoped3A = tpu.sem_alloc : memref<!tpu.dma_semaphore, #tpu.memory_space<semaphore_mem>>
      %dma_start3A = arith.constant 0 : i32
      %dma_start3A_9 = arith.constant 0 : i32
      %dma_start3A_10 = tpu.memref_slice %arg2[%add3A, %dma_start3A, %dma_start3A_9] : memref<32x79x128xi32, #tpu.memory_space<hbm>> -> memref<1x79x128xi32, #tpu.memory_space<hbm>>
      %dma_start3A_11 = tpu.memref_squeeze %dma_start3A_10 : memref<1x79x128xi32, #tpu.memory_space<hbm>> -> memref<79x128xi32, #tpu.memory_space<hbm>>
      %dma_start3A_12 = arith.constant 0 : i32
      %dma_start3A_13 = arith.constant 0 : i32
      %dma_start3A_14 = tpu.memref_slice %arg2[%add3A, %dma_start3A_12, %dma_start3A_13] : memref<32x79x128xi32, #tpu.memory_space<hbm>> -> memref<1x79x128xi32, #tpu.memory_space<hbm>>
      %dma_start3A_15 = tpu.memref_squeeze %dma_start3A_14 : memref<1x79x128xi32, #tpu.memory_space<hbm>> -> memref<79x128xi32, #tpu.memory_space<hbm>>
      tpu.enqueue_dma source(%dma_start3A_15 : memref<79x128xi32, #tpu.memory_space<hbm>>) target(%arg6 : memref<79x128xi32, #tpu.memory_space<vmem>>) target_semaphore(%run_scoped3A : memref<!tpu.dma_semaphore, #tpu.memory_space<semaphore_mem>>)
      %dma_wait3A = arith.constant 0 : i32
      %dma_wait3A_16 = arith.constant 0 : i32
      %dma_wait3A_17 = tpu.memref_slice %arg2[%add3A, %dma_wait3A, %dma_wait3A_16] : memref<32x79x128xi32, #tpu.memory_space<hbm>> -> memref<1x79x128xi32, #tpu.memory_space<hbm>>
      %dma_wait3A_18 = tpu.memref_squeeze %dma_wait3A_17 : memref<1x79x128xi32, #tpu.memory_space<hbm>> -> memref<79x128xi32, #tpu.memory_space<hbm>>
      %dma_wait3A_19 = arith.constant 0 : i32
      %dma_wait3A_20 = arith.constant 0 : i32
      %dma_wait3A_21 = tpu.memref_slice %arg2[%add3A, %dma_wait3A_19, %dma_wait3A_20] : memref<32x79x128xi32, #tpu.memory_space<hbm>> -> memref<1x79x128xi32, #tpu.memory_space<hbm>>
      %dma_wait3A_22 = tpu.memref_squeeze %dma_wait3A_21 : memref<1x79x128xi32, #tpu.memory_space<hbm>> -> memref<79x128xi32, #tpu.memory_space<hbm>>
      tpu.wait_dma2 semaphore(%run_scoped3A : memref<!tpu.dma_semaphore, #tpu.memory_space<semaphore_mem>>) src(%dma_wait3A_22 : memref<79x128xi32, #tpu.memory_space<hbm>>) dst(%arg6 : memref<79x128xi32, #tpu.memory_space<vmem>>)
      tpu.yield
    }) : () -> ()
    %barrier3A = arith.constant 0 : index
    tpu.barrier barrier_id(%barrier3A)
    %scan3A = arith.constant 0 : i32
    %scan3A_3 = arith.constant 0 : i32
    %scan3A_4 = arith.constant 79 : i32
    %scan3A_5 = arith.addi %scan3A_3, %scan3A_4 : i32
    %scan3A_6 = arith.constant 1 : i32
    scf.for %scan3A_9 = %scan3A_3 to %scan3A_5 step %scan3A_6  : i32 {
      "tpu.region"() ({
        %run_scoped3A = tpu.sem_alloc : memref<!tpu.dma_semaphore, #tpu.memory_space<semaphore_mem>>
        %dma_start3A = arith.constant 0 : i32
        %dma_start3A_10 = tpu.memref_slice %arg6[%scan3A_9, %dma_start3A] : memref<79x128xi32, #tpu.memory_space<vmem>> -> memref<1x128xi32, #tpu.memory_space<vmem>>
        %dma_start3A_11 = tpu.memref_squeeze %dma_start3A_10 : memref<1x128xi32, #tpu.memory_space<vmem>> -> memref<128xi32, #tpu.memory_space<vmem>>
        %dma_start3A_12 = arith.constant 0 : i32
        %dma_start3A_13 = tpu.memref_slice %arg8[%dma_start3A_12] : memref<10240xf32, #tpu.memory_space<vmem_shared>> -> memref<10240xf32, #tpu.memory_space<vmem_shared>>
        tpu.enqueue_indirect_dma source(%arg7 : memref<128xf32, #tpu.memory_space<vmem>>) target(%dma_start3A_13 : memref<10240xf32, #tpu.memory_space<vmem_shared>>) offsets(%dma_start3A_11 : memref<128xi32, #tpu.memory_space<vmem>>) semaphore(%run_scoped3A : memref<!tpu.dma_semaphore, #tpu.memory_space<semaphore_mem>>) {add = true}
        %dma_wait3A = arith.constant 0 : i32
        %dma_wait3A_14 = tpu.memref_slice %arg6[%scan3A_9, %dma_wait3A] : memref<79x128xi32, #tpu.memory_space<vmem>> -> memref<1x128xi32, #tpu.memory_space<vmem>>
        %dma_wait3A_15 = tpu.memref_squeeze %dma_wait3A_14 : memref<1x128xi32, #tpu.memory_space<vmem>> -> memref<128xi32, #tpu.memory_space<vmem>>
        %dma_wait3A_16 = arith.constant 0 : i32
        %dma_wait3A_17 = tpu.memref_slice %arg8[%dma_wait3A_16] : memref<10240xf32, #tpu.memory_space<vmem_shared>> -> memref<10240xf32, #tpu.memory_space<vmem_shared>>
        tpu.wait_indirect_dma semaphore(%run_scoped3A : memref<!tpu.dma_semaphore, #tpu.memory_space<semaphore_mem>>) src(%arg7 : memref<128xf32, #tpu.memory_space<vmem>>) dst(%dma_wait3A_17 : memref<10240xf32, #tpu.memory_space<vmem_shared>>)
        tpu.yield
      }) : () -> ()
    }
    %scan3A_7 = arith.constant 79 : i32
    %barrier3A_8 = arith.constant 0 : index
    tpu.barrier barrier_id(%barrier3A_8)
    "tpu.region"() ({
      %run_scoped3A = tpu.sem_alloc : memref<!tpu.dma_semaphore, #tpu.memory_space<semaphore_mem>>
      %dma_start3A = tpu.memref_slice %arg5[%arg0, %mul3A_2] : memref<2x10240xf32, #tpu.memory_space<hbm>> -> memref<1x640xf32, #tpu.memory_space<hbm>>
      %dma_start3A_9 = tpu.memref_squeeze %dma_start3A : memref<1x640xf32, #tpu.memory_space<hbm>> -> memref<640xf32, #tpu.memory_space<hbm>>
      %dma_start3A_10 = tpu.memref_slice %arg8[%mul3A_2] : memref<10240xf32, #tpu.memory_space<vmem_shared>> -> memref<640xf32, #tpu.memory_space<vmem_shared>>
      tpu.enqueue_dma source(%dma_start3A_10 : memref<640xf32, #tpu.memory_space<vmem_shared>>) target(%dma_start3A_9 : memref<640xf32, #tpu.memory_space<hbm>>) target_semaphore(%run_scoped3A : memref<!tpu.dma_semaphore, #tpu.memory_space<semaphore_mem>>)
      %dma_wait3A = tpu.memref_slice %arg5[%arg0, %mul3A_2] : memref<2x10240xf32, #tpu.memory_space<hbm>> -> memref<1x640xf32, #tpu.memory_space<hbm>>
      %dma_wait3A_11 = tpu.memref_squeeze %dma_wait3A : memref<1x640xf32, #tpu.memory_space<hbm>> -> memref<640xf32, #tpu.memory_space<hbm>>
      %dma_wait3A_12 = tpu.memref_slice %arg8[%mul3A_2] : memref<10240xf32, #tpu.memory_space<vmem_shared>> -> memref<640xf32, #tpu.memory_space<vmem_shared>>
      tpu.wait_dma2 semaphore(%run_scoped3A : memref<!tpu.dma_semaphore, #tpu.memory_space<semaphore_mem>>) src(%dma_wait3A_12 : memref<640xf32, #tpu.memory_space<vmem_shared>>) dst(%dma_wait3A_11 : memref<640xf32, #tpu.memory_space<hbm>>)
      tpu.yield
    }) : () -> ()
    return
  }
}

#map = affine_map<(d0, d1) -> (0, 0, 0)>
module attributes {stable_mosaic.version = 14 : i64} {
  func.func @agg_kernel(%arg0: i32, %arg1: i32, %arg2: memref<16x159x128xi32, #tpu.memory_space<hbm>>, %arg3: memref<16x157x128xi32, #tpu.memory_space<hbm>>, %arg4: memref<2x10240x64xf32, #tpu.memory_space<hbm>>, %arg5: memref<2x10240x64xf32, #tpu.memory_space<hbm>>, %arg6: memref<159x128xi32, #tpu.memory_space<vmem>>, %arg7: memref<157x128xi32, #tpu.memory_space<vmem>>, %arg8: memref<4x128x64xf32, #tpu.memory_space<vmem>>, %arg9: memref<10240x64xf32, #tpu.memory_space<vmem_shared>>, %arg10: memref<!tpu.dma_semaphore, #tpu.memory_space<semaphore_mem>>, %arg11: memref<!tpu.dma_semaphore, #tpu.memory_space<semaphore_mem>>, %arg12: memref<!tpu.dma_semaphore, #tpu.memory_space<semaphore_mem>>, %arg13: memref<!tpu.dma_semaphore, #tpu.memory_space<semaphore_mem>>) attributes {dimension_semantics = [#tpu.dimension_semantics<core_parallel>, #tpu.dimension_semantics<subcore_parallel>], iteration_bounds = array<i64: 2, 16>, scalar_prefetch = 0 : i64, scratch_operands = 8 : i64, tpu.core_type = #tpu.core_type<sc_vector_subcore>, window_params = [{transform_indices = #map}, {transform_indices = #map}, {transform_indices = #map}, {transform_indices = #map}]} {
    %mul3A = arith.constant 640 : i32
    %mul3A_0 = arith.muli %arg1, %mul3A : i32
    "tpu.region"() ({
      %run_scoped3A = tpu.sem_alloc : memref<!tpu.dma_semaphore, #tpu.memory_space<semaphore_mem>>
      %dma_start3A_168 = arith.constant 0 : i32
      %dma_start3A_169 = tpu.memref_slice %arg9[%mul3A_0, %dma_start3A_168] : memref<10240x64xf32, #tpu.memory_space<vmem_shared>> -> memref<640x64xf32, #tpu.memory_space<vmem_shared>>
      %dma_start3A_170 = arith.constant 0 : i32
      %dma_start3A_171 = arith.constant 0 : i32
      %dma_start3A_172 = tpu.memref_slice %arg4[%arg0, %dma_start3A_170, %dma_start3A_171] : memref<2x10240x64xf32, #tpu.memory_space<hbm>> -> memref<1x10240x64xf32, #tpu.memory_space<hbm>>
      %dma_start3A_173 = tpu.memref_squeeze %dma_start3A_172 : memref<1x10240x64xf32, #tpu.memory_space<hbm>> -> memref<10240x64xf32, #tpu.memory_space<hbm>>
      %dma_start3A_174 = arith.constant 0 : i32
      %dma_start3A_175 = tpu.memref_slice %dma_start3A_173[%mul3A_0, %dma_start3A_174] : memref<10240x64xf32, #tpu.memory_space<hbm>> -> memref<640x64xf32, #tpu.memory_space<hbm>>
      tpu.enqueue_dma source(%dma_start3A_175 : memref<640x64xf32, #tpu.memory_space<hbm>>) target(%dma_start3A_169 : memref<640x64xf32, #tpu.memory_space<vmem_shared>>) target_semaphore(%run_scoped3A : memref<!tpu.dma_semaphore, #tpu.memory_space<semaphore_mem>>)
      %dma_wait3A_176 = arith.constant 0 : i32
      %dma_wait3A_177 = tpu.memref_slice %arg9[%mul3A_0, %dma_wait3A_176] : memref<10240x64xf32, #tpu.memory_space<vmem_shared>> -> memref<640x64xf32, #tpu.memory_space<vmem_shared>>
      %dma_wait3A_178 = arith.constant 0 : i32
      %dma_wait3A_179 = arith.constant 0 : i32
      %dma_wait3A_180 = tpu.memref_slice %arg4[%arg0, %dma_wait3A_178, %dma_wait3A_179] : memref<2x10240x64xf32, #tpu.memory_space<hbm>> -> memref<1x10240x64xf32, #tpu.memory_space<hbm>>
      %dma_wait3A_181 = tpu.memref_squeeze %dma_wait3A_180 : memref<1x10240x64xf32, #tpu.memory_space<hbm>> -> memref<10240x64xf32, #tpu.memory_space<hbm>>
      %dma_wait3A_182 = arith.constant 0 : i32
      %dma_wait3A_183 = tpu.memref_slice %dma_wait3A_181[%mul3A_0, %dma_wait3A_182] : memref<10240x64xf32, #tpu.memory_space<hbm>> -> memref<640x64xf32, #tpu.memory_space<hbm>>
      tpu.wait_dma2 semaphore(%run_scoped3A : memref<!tpu.dma_semaphore, #tpu.memory_space<semaphore_mem>>) src(%dma_wait3A_183 : memref<640x64xf32, #tpu.memory_space<hbm>>) dst(%dma_wait3A_177 : memref<640x64xf32, #tpu.memory_space<vmem_shared>>)
      tpu.yield
    }) : () -> ()
    "tpu.region"() ({
      %run_scoped3A = tpu.sem_alloc : memref<!tpu.dma_semaphore, #tpu.memory_space<semaphore_mem>>
      %dma_start3A_168 = arith.constant 0 : i32
      %dma_start3A_169 = arith.constant 0 : i32
      %dma_start3A_170 = tpu.memref_slice %arg2[%arg1, %dma_start3A_168, %dma_start3A_169] : memref<16x159x128xi32, #tpu.memory_space<hbm>> -> memref<1x159x128xi32, #tpu.memory_space<hbm>>
      %dma_start3A_171 = tpu.memref_squeeze %dma_start3A_170 : memref<1x159x128xi32, #tpu.memory_space<hbm>> -> memref<159x128xi32, #tpu.memory_space<hbm>>
      %dma_start3A_172 = arith.constant 0 : i32
      %dma_start3A_173 = arith.constant 0 : i32
      %dma_start3A_174 = tpu.memref_slice %arg2[%arg1, %dma_start3A_172, %dma_start3A_173] : memref<16x159x128xi32, #tpu.memory_space<hbm>> -> memref<1x159x128xi32, #tpu.memory_space<hbm>>
      %dma_start3A_175 = tpu.memref_squeeze %dma_start3A_174 : memref<1x159x128xi32, #tpu.memory_space<hbm>> -> memref<159x128xi32, #tpu.memory_space<hbm>>
      tpu.enqueue_dma source(%dma_start3A_175 : memref<159x128xi32, #tpu.memory_space<hbm>>) target(%arg6 : memref<159x128xi32, #tpu.memory_space<vmem>>) target_semaphore(%run_scoped3A : memref<!tpu.dma_semaphore, #tpu.memory_space<semaphore_mem>>)
      %dma_wait3A_176 = arith.constant 0 : i32
      %dma_wait3A_177 = arith.constant 0 : i32
      %dma_wait3A_178 = tpu.memref_slice %arg2[%arg1, %dma_wait3A_176, %dma_wait3A_177] : memref<16x159x128xi32, #tpu.memory_space<hbm>> -> memref<1x159x128xi32, #tpu.memory_space<hbm>>
      %dma_wait3A_179 = tpu.memref_squeeze %dma_wait3A_178 : memref<1x159x128xi32, #tpu.memory_space<hbm>> -> memref<159x128xi32, #tpu.memory_space<hbm>>
      %dma_wait3A_180 = arith.constant 0 : i32
      %dma_wait3A_181 = arith.constant 0 : i32
      %dma_wait3A_182 = tpu.memref_slice %arg2[%arg1, %dma_wait3A_180, %dma_wait3A_181] : memref<16x159x128xi32, #tpu.memory_space<hbm>> -> memref<1x159x128xi32, #tpu.memory_space<hbm>>
      %dma_wait3A_183 = tpu.memref_squeeze %dma_wait3A_182 : memref<1x159x128xi32, #tpu.memory_space<hbm>> -> memref<159x128xi32, #tpu.memory_space<hbm>>
      tpu.wait_dma2 semaphore(%run_scoped3A : memref<!tpu.dma_semaphore, #tpu.memory_space<semaphore_mem>>) src(%dma_wait3A_183 : memref<159x128xi32, #tpu.memory_space<hbm>>) dst(%arg6 : memref<159x128xi32, #tpu.memory_space<vmem>>)
      tpu.yield
    }) : () -> ()
    "tpu.region"() ({
      %run_scoped3A = tpu.sem_alloc : memref<!tpu.dma_semaphore, #tpu.memory_space<semaphore_mem>>
      %dma_start3A_168 = arith.constant 0 : i32
      %dma_start3A_169 = arith.constant 0 : i32
      %dma_start3A_170 = tpu.memref_slice %arg3[%arg1, %dma_start3A_168, %dma_start3A_169] : memref<16x157x128xi32, #tpu.memory_space<hbm>> -> memref<1x157x128xi32, #tpu.memory_space<hbm>>
      %dma_start3A_171 = tpu.memref_squeeze %dma_start3A_170 : memref<1x157x128xi32, #tpu.memory_space<hbm>> -> memref<157x128xi32, #tpu.memory_space<hbm>>
      %dma_start3A_172 = arith.constant 0 : i32
      %dma_start3A_173 = arith.constant 0 : i32
      %dma_start3A_174 = tpu.memref_slice %arg3[%arg1, %dma_start3A_172, %dma_start3A_173] : memref<16x157x128xi32, #tpu.memory_space<hbm>> -> memref<1x157x128xi32, #tpu.memory_space<hbm>>
      %dma_start3A_175 = tpu.memref_squeeze %dma_start3A_174 : memref<1x157x128xi32, #tpu.memory_space<hbm>> -> memref<157x128xi32, #tpu.memory_space<hbm>>
      tpu.enqueue_dma source(%dma_start3A_175 : memref<157x128xi32, #tpu.memory_space<hbm>>) target(%arg7 : memref<157x128xi32, #tpu.memory_space<vmem>>) target_semaphore(%run_scoped3A : memref<!tpu.dma_semaphore, #tpu.memory_space<semaphore_mem>>)
      %dma_wait3A_176 = arith.constant 0 : i32
      %dma_wait3A_177 = arith.constant 0 : i32
      %dma_wait3A_178 = tpu.memref_slice %arg3[%arg1, %dma_wait3A_176, %dma_wait3A_177] : memref<16x157x128xi32, #tpu.memory_space<hbm>> -> memref<1x157x128xi32, #tpu.memory_space<hbm>>
      %dma_wait3A_179 = tpu.memref_squeeze %dma_wait3A_178 : memref<1x157x128xi32, #tpu.memory_space<hbm>> -> memref<157x128xi32, #tpu.memory_space<hbm>>
      %dma_wait3A_180 = arith.constant 0 : i32
      %dma_wait3A_181 = arith.constant 0 : i32
      %dma_wait3A_182 = tpu.memref_slice %arg3[%arg1, %dma_wait3A_180, %dma_wait3A_181] : memref<16x157x128xi32, #tpu.memory_space<hbm>> -> memref<1x157x128xi32, #tpu.memory_space<hbm>>
      %dma_wait3A_183 = tpu.memref_squeeze %dma_wait3A_182 : memref<1x157x128xi32, #tpu.memory_space<hbm>> -> memref<157x128xi32, #tpu.memory_space<hbm>>
      tpu.wait_dma2 semaphore(%run_scoped3A : memref<!tpu.dma_semaphore, #tpu.memory_space<semaphore_mem>>) src(%dma_wait3A_183 : memref<157x128xi32, #tpu.memory_space<hbm>>) dst(%arg7 : memref<157x128xi32, #tpu.memory_space<vmem>>)
      tpu.yield
    }) : () -> ()
    %barrier3A = arith.constant 0 : index
    tpu.barrier barrier_id(%barrier3A)
    %rem3A = arith.constant 0 : i32
    %rem3A_1 = arith.constant 4 : i32
    %rem3A_2 = arith.remsi %rem3A, %rem3A_1 : i32
    %dma_start3A = arith.constant 0 : i32
    %dma_start3A_3 = arith.constant 0 : i32
    %dma_start3A_4 = arith.constant 0 : i32
    %dma_start3A_5 = tpu.memref_slice %arg8[%rem3A_2, %dma_start3A_3, %dma_start3A_4] : memref<4x128x64xf32, #tpu.memory_space<vmem>> -> memref<1x128x64xf32, #tpu.memory_space<vmem>>
    %dma_start3A_6 = tpu.memref_squeeze %dma_start3A_5 : memref<1x128x64xf32, #tpu.memory_space<vmem>> -> memref<128x64xf32, #tpu.memory_space<vmem>>
    %dma_start3A_7 = arith.constant 0 : i32
    %dma_start3A_8 = tpu.memref_slice %arg6[%dma_start3A, %dma_start3A_7] : memref<159x128xi32, #tpu.memory_space<vmem>> -> memref<1x128xi32, #tpu.memory_space<vmem>>
    %dma_start3A_9 = tpu.memref_squeeze %dma_start3A_8 : memref<1x128xi32, #tpu.memory_space<vmem>> -> memref<128xi32, #tpu.memory_space<vmem>>
    %dma_start3A_10 = arith.constant 0 : i32
    %dma_start3A_11 = arith.constant 0 : i32
    %dma_start3A_12 = tpu.memref_slice %arg4[%arg0, %dma_start3A_10, %dma_start3A_11] : memref<2x10240x64xf32, #tpu.memory_space<hbm>> -> memref<1x10240x64xf32, #tpu.memory_space<hbm>>
    %dma_start3A_13 = tpu.memref_squeeze %dma_start3A_12 : memref<1x10240x64xf32, #tpu.memory_space<hbm>> -> memref<10240x64xf32, #tpu.memory_space<hbm>>
    %dma_start3A_14 = arith.constant 0 : i32
    %dma_start3A_15 = arith.constant 0 : i32
    %dma_start3A_16 = tpu.memref_slice %dma_start3A_13[%dma_start3A_14, %dma_start3A_15] : memref<10240x64xf32, #tpu.memory_space<hbm>> -> memref<10240x64xf32, #tpu.memory_space<hbm>>
    tpu.enqueue_indirect_dma source(%dma_start3A_16 : memref<10240x64xf32, #tpu.memory_space<hbm>>) target(%dma_start3A_6 : memref<128x64xf32, #tpu.memory_space<vmem>>) offsets(%dma_start3A_9 : memref<128xi32, #tpu.memory_space<vmem>>) semaphore(%arg10 : memref<!tpu.dma_semaphore, #tpu.memory_space<semaphore_mem>>)
    %rem3A_17 = arith.constant 1 : i32
    %rem3A_18 = arith.constant 4 : i32
    %rem3A_19 = arith.remsi %rem3A_17, %rem3A_18 : i32
    %dma_start3A_20 = arith.constant 1 : i32
    %dma_start3A_21 = arith.constant 0 : i32
    %dma_start3A_22 = arith.constant 0 : i32
    %dma_start3A_23 = tpu.memref_slice %arg8[%rem3A_19, %dma_start3A_21, %dma_start3A_22] : memref<4x128x64xf32, #tpu.memory_space<vmem>> -> memref<1x128x64xf32, #tpu.memory_space<vmem>>
    %dma_start3A_24 = tpu.memref_squeeze %dma_start3A_23 : memref<1x128x64xf32, #tpu.memory_space<vmem>> -> memref<128x64xf32, #tpu.memory_space<vmem>>
    %dma_start3A_25 = arith.constant 0 : i32
    %dma_start3A_26 = tpu.memref_slice %arg6[%dma_start3A_20, %dma_start3A_25] : memref<159x128xi32, #tpu.memory_space<vmem>> -> memref<1x128xi32, #tpu.memory_space<vmem>>
    %dma_start3A_27 = tpu.memref_squeeze %dma_start3A_26 : memref<1x128xi32, #tpu.memory_space<vmem>> -> memref<128xi32, #tpu.memory_space<vmem>>
    %dma_start3A_28 = arith.constant 0 : i32
    %dma_start3A_29 = arith.constant 0 : i32
    %dma_start3A_30 = tpu.memref_slice %arg4[%arg0, %dma_start3A_28, %dma_start3A_29] : memref<2x10240x64xf32, #tpu.memory_space<hbm>> -> memref<1x10240x64xf32, #tpu.memory_space<hbm>>
    %dma_start3A_31 = tpu.memref_squeeze %dma_start3A_30 : memref<1x10240x64xf32, #tpu.memory_space<hbm>> -> memref<10240x64xf32, #tpu.memory_space<hbm>>
    %dma_start3A_32 = arith.constant 0 : i32
    %dma_start3A_33 = arith.constant 0 : i32
    %dma_start3A_34 = tpu.memref_slice %dma_start3A_31[%dma_start3A_32, %dma_start3A_33] : memref<10240x64xf32, #tpu.memory_space<hbm>> -> memref<10240x64xf32, #tpu.memory_space<hbm>>
    tpu.enqueue_indirect_dma source(%dma_start3A_34 : memref<10240x64xf32, #tpu.memory_space<hbm>>) target(%dma_start3A_24 : memref<128x64xf32, #tpu.memory_space<vmem>>) offsets(%dma_start3A_27 : memref<128xi32, #tpu.memory_space<vmem>>) semaphore(%arg11 : memref<!tpu.dma_semaphore, #tpu.memory_space<semaphore_mem>>)
    %scan3A = arith.constant 0 : i32
    %scan3A_35 = arith.constant 0 : i32
    %scan3A_36 = arith.constant 78 : i32
    %scan3A_37 = arith.addi %scan3A_35, %scan3A_36 : i32
    %scan3A_38 = arith.constant 1 : i32
    scf.for %scan3A_168 = %scan3A_35 to %scan3A_37 step %scan3A_38  : i32 {
      %mul3A_169 = arith.constant 2 : i32
      %mul3A_170 = arith.muli %mul3A_169, %scan3A_168 : i32
      %rem3A_171 = arith.constant 4 : i32
      %rem3A_172 = arith.remsi %mul3A_170, %rem3A_171 : i32
      %dma_wait3A_173 = arith.constant 0 : i32
      %dma_wait3A_174 = arith.constant 0 : i32
      %dma_wait3A_175 = tpu.memref_slice %arg8[%rem3A_172, %dma_wait3A_173, %dma_wait3A_174] : memref<4x128x64xf32, #tpu.memory_space<vmem>> -> memref<1x128x64xf32, #tpu.memory_space<vmem>>
      %dma_wait3A_176 = tpu.memref_squeeze %dma_wait3A_175 : memref<1x128x64xf32, #tpu.memory_space<vmem>> -> memref<128x64xf32, #tpu.memory_space<vmem>>
      %dma_wait3A_177 = arith.constant 0 : i32
      %dma_wait3A_178 = tpu.memref_slice %arg6[%mul3A_170, %dma_wait3A_177] : memref<159x128xi32, #tpu.memory_space<vmem>> -> memref<1x128xi32, #tpu.memory_space<vmem>>
      %dma_wait3A_179 = tpu.memref_squeeze %dma_wait3A_178 : memref<1x128xi32, #tpu.memory_space<vmem>> -> memref<128xi32, #tpu.memory_space<vmem>>
      %dma_wait3A_180 = arith.constant 0 : i32
      %dma_wait3A_181 = arith.constant 0 : i32
      %dma_wait3A_182 = tpu.memref_slice %arg4[%arg0, %dma_wait3A_180, %dma_wait3A_181] : memref<2x10240x64xf32, #tpu.memory_space<hbm>> -> memref<1x10240x64xf32, #tpu.memory_space<hbm>>
      %dma_wait3A_183 = tpu.memref_squeeze %dma_wait3A_182 : memref<1x10240x64xf32, #tpu.memory_space<hbm>> -> memref<10240x64xf32, #tpu.memory_space<hbm>>
      %dma_wait3A_184 = arith.constant 0 : i32
      %dma_wait3A_185 = arith.constant 0 : i32
      %dma_wait3A_186 = tpu.memref_slice %dma_wait3A_183[%dma_wait3A_184, %dma_wait3A_185] : memref<10240x64xf32, #tpu.memory_space<hbm>> -> memref<10240x64xf32, #tpu.memory_space<hbm>>
      tpu.wait_indirect_dma semaphore(%arg10 : memref<!tpu.dma_semaphore, #tpu.memory_space<semaphore_mem>>) src(%dma_wait3A_186 : memref<10240x64xf32, #tpu.memory_space<hbm>>) dst(%dma_wait3A_176 : memref<128x64xf32, #tpu.memory_space<vmem>>)
      %ge3A = arith.constant 2 : i32
      %ge3A_187 = arith.cmpi sge, %mul3A_170, %ge3A : i32
      %convert_element_type3A = arith.extui %ge3A_187 : i1 to i32
      %cond3A = arith.constant 0 : i32
      %cond3A_188 = arith.cmpi ne, %convert_element_type3A, %cond3A : i32
      scf.if %cond3A_188 {
        %sub3A = arith.constant 2 : i32
        %sub3A_271 = arith.subi %mul3A_170, %sub3A : i32
        %rem3A_272 = arith.constant 4 : i32
        %rem3A_273 = arith.remsi %sub3A_271, %rem3A_272 : i32
        %dma_wait3A_274 = arith.constant 0 : i32
        %dma_wait3A_275 = arith.constant 0 : i32
        %dma_wait3A_276 = tpu.memref_slice %arg8[%rem3A_273, %dma_wait3A_274, %dma_wait3A_275] : memref<4x128x64xf32, #tpu.memory_space<vmem>> -> memref<1x128x64xf32, #tpu.memory_space<vmem>>
        %dma_wait3A_277 = tpu.memref_squeeze %dma_wait3A_276 : memref<1x128x64xf32, #tpu.memory_space<vmem>> -> memref<128x64xf32, #tpu.memory_space<vmem>>
        %dma_wait3A_278 = arith.constant 0 : i32
        %dma_wait3A_279 = tpu.memref_slice %arg7[%sub3A_271, %dma_wait3A_278] : memref<157x128xi32, #tpu.memory_space<vmem>> -> memref<1x128xi32, #tpu.memory_space<vmem>>
        %dma_wait3A_280 = tpu.memref_squeeze %dma_wait3A_279 : memref<1x128xi32, #tpu.memory_space<vmem>> -> memref<128xi32, #tpu.memory_space<vmem>>
        %dma_wait3A_281 = arith.constant 0 : i32
        %dma_wait3A_282 = arith.constant 0 : i32
        %dma_wait3A_283 = tpu.memref_slice %arg9[%dma_wait3A_281, %dma_wait3A_282] : memref<10240x64xf32, #tpu.memory_space<vmem_shared>> -> memref<10240x64xf32, #tpu.memory_space<vmem_shared>>
        tpu.wait_indirect_dma semaphore(%arg12 : memref<!tpu.dma_semaphore, #tpu.memory_space<semaphore_mem>>) src(%dma_wait3A_277 : memref<128x64xf32, #tpu.memory_space<vmem>>) dst(%dma_wait3A_283 : memref<10240x64xf32, #tpu.memory_space<vmem_shared>>)
      } else {
      }
      %rem3A_189 = arith.constant 4 : i32
      %rem3A_190 = arith.remsi %mul3A_170, %rem3A_189 : i32
      %dma_start3A_191 = arith.constant 0 : i32
      %dma_start3A_192 = arith.constant 0 : i32
      %dma_start3A_193 = tpu.memref_slice %arg8[%rem3A_190, %dma_start3A_191, %dma_start3A_192] : memref<4x128x64xf32, #tpu.memory_space<vmem>> -> memref<1x128x64xf32, #tpu.memory_space<vmem>>
      %dma_start3A_194 = tpu.memref_squeeze %dma_start3A_193 : memref<1x128x64xf32, #tpu.memory_space<vmem>> -> memref<128x64xf32, #tpu.memory_space<vmem>>
      %dma_start3A_195 = arith.constant 0 : i32
      %dma_start3A_196 = tpu.memref_slice %arg7[%mul3A_170, %dma_start3A_195] : memref<157x128xi32, #tpu.memory_space<vmem>> -> memref<1x128xi32, #tpu.memory_space<vmem>>
      %dma_start3A_197 = tpu.memref_squeeze %dma_start3A_196 : memref<1x128xi32, #tpu.memory_space<vmem>> -> memref<128xi32, #tpu.memory_space<vmem>>
      %dma_start3A_198 = arith.constant 0 : i32
      %dma_start3A_199 = arith.constant 0 : i32
      %dma_start3A_200 = tpu.memref_slice %arg9[%dma_start3A_198, %dma_start3A_199] : memref<10240x64xf32, #tpu.memory_space<vmem_shared>> -> memref<10240x64xf32, #tpu.memory_space<vmem_shared>>
      tpu.enqueue_indirect_dma source(%dma_start3A_194 : memref<128x64xf32, #tpu.memory_space<vmem>>) target(%dma_start3A_200 : memref<10240x64xf32, #tpu.memory_space<vmem_shared>>) offsets(%dma_start3A_197 : memref<128xi32, #tpu.memory_space<vmem>>) semaphore(%arg12 : memref<!tpu.dma_semaphore, #tpu.memory_space<semaphore_mem>>) {add = true}
      %add3A = arith.constant 2 : i32
      %add3A_201 = arith.addi %mul3A_170, %add3A : i32
      %rem3A_202 = arith.constant 4 : i32
      %rem3A_203 = arith.remsi %add3A_201, %rem3A_202 : i32
      %dma_start3A_204 = arith.constant 0 : i32
      %dma_start3A_205 = arith.constant 0 : i32
      %dma_start3A_206 = tpu.memref_slice %arg8[%rem3A_203, %dma_start3A_204, %dma_start3A_205] : memref<4x128x64xf32, #tpu.memory_space<vmem>> -> memref<1x128x64xf32, #tpu.memory_space<vmem>>
      %dma_start3A_207 = tpu.memref_squeeze %dma_start3A_206 : memref<1x128x64xf32, #tpu.memory_space<vmem>> -> memref<128x64xf32, #tpu.memory_space<vmem>>
      %dma_start3A_208 = arith.constant 0 : i32
      %dma_start3A_209 = tpu.memref_slice %arg6[%add3A_201, %dma_start3A_208] : memref<159x128xi32, #tpu.memory_space<vmem>> -> memref<1x128xi32, #tpu.memory_space<vmem>>
      %dma_start3A_210 = tpu.memref_squeeze %dma_start3A_209 : memref<1x128xi32, #tpu.memory_space<vmem>> -> memref<128xi32, #tpu.memory_space<vmem>>
      %dma_start3A_211 = arith.constant 0 : i32
      %dma_start3A_212 = arith.constant 0 : i32
      %dma_start3A_213 = tpu.memref_slice %arg4[%arg0, %dma_start3A_211, %dma_start3A_212] : memref<2x10240x64xf32, #tpu.memory_space<hbm>> -> memref<1x10240x64xf32, #tpu.memory_space<hbm>>
      %dma_start3A_214 = tpu.memref_squeeze %dma_start3A_213 : memref<1x10240x64xf32, #tpu.memory_space<hbm>> -> memref<10240x64xf32, #tpu.memory_space<hbm>>
      %dma_start3A_215 = arith.constant 0 : i32
      %dma_start3A_216 = arith.constant 0 : i32
      %dma_start3A_217 = tpu.memref_slice %dma_start3A_214[%dma_start3A_215, %dma_start3A_216] : memref<10240x64xf32, #tpu.memory_space<hbm>> -> memref<10240x64xf32, #tpu.memory_space<hbm>>
      tpu.enqueue_indirect_dma source(%dma_start3A_217 : memref<10240x64xf32, #tpu.memory_space<hbm>>) target(%dma_start3A_207 : memref<128x64xf32, #tpu.memory_space<vmem>>) offsets(%dma_start3A_210 : memref<128xi32, #tpu.memory_space<vmem>>) semaphore(%arg10 : memref<!tpu.dma_semaphore, #tpu.memory_space<semaphore_mem>>)
      %add3A_218 = arith.constant 1 : i32
      %add3A_219 = arith.addi %mul3A_170, %add3A_218 : i32
      %rem3A_220 = arith.constant 4 : i32
      %rem3A_221 = arith.remsi %add3A_219, %rem3A_220 : i32
      %dma_wait3A_222 = arith.constant 0 : i32
      %dma_wait3A_223 = arith.constant 0 : i32
      %dma_wait3A_224 = tpu.memref_slice %arg8[%rem3A_221, %dma_wait3A_222, %dma_wait3A_223] : memref<4x128x64xf32, #tpu.memory_space<vmem>> -> memref<1x128x64xf32, #tpu.memory_space<vmem>>
      %dma_wait3A_225 = tpu.memref_squeeze %dma_wait3A_224 : memref<1x128x64xf32, #tpu.memory_space<vmem>> -> memref<128x64xf32, #tpu.memory_space<vmem>>
      %dma_wait3A_226 = arith.constant 0 : i32
      %dma_wait3A_227 = tpu.memref_slice %arg6[%add3A_219, %dma_wait3A_226] : memref<159x128xi32, #tpu.memory_space<vmem>> -> memref<1x128xi32, #tpu.memory_space<vmem>>
      %dma_wait3A_228 = tpu.memref_squeeze %dma_wait3A_227 : memref<1x128xi32, #tpu.memory_space<vmem>> -> memref<128xi32, #tpu.memory_space<vmem>>
      %dma_wait3A_229 = arith.constant 0 : i32
      %dma_wait3A_230 = arith.constant 0 : i32
      %dma_wait3A_231 = tpu.memref_slice %arg4[%arg0, %dma_wait3A_229, %dma_wait3A_230] : memref<2x10240x64xf32, #tpu.memory_space<hbm>> -> memref<1x10240x64xf32, #tpu.memory_space<hbm>>
      %dma_wait3A_232 = tpu.memref_squeeze %dma_wait3A_231 : memref<1x10240x64xf32, #tpu.memory_space<hbm>> -> memref<10240x64xf32, #tpu.memory_space<hbm>>
      %dma_wait3A_233 = arith.constant 0 : i32
      %dma_wait3A_234 = arith.constant 0 : i32
      %dma_wait3A_235 = tpu.memref_slice %dma_wait3A_232[%dma_wait3A_233, %dma_wait3A_234] : memref<10240x64xf32, #tpu.memory_space<hbm>> -> memref<10240x64xf32, #tpu.memory_space<hbm>>
      tpu.wait_indirect_dma semaphore(%arg11 : memref<!tpu.dma_semaphore, #tpu.memory_space<semaphore_mem>>) src(%dma_wait3A_235 : memref<10240x64xf32, #tpu.memory_space<hbm>>) dst(%dma_wait3A_225 : memref<128x64xf32, #tpu.memory_space<vmem>>)
      %ge3A_236 = arith.constant 2 : i32
      %ge3A_237 = arith.cmpi sge, %add3A_219, %ge3A_236 : i32
      %convert_element_type3A_238 = arith.extui %ge3A_237 : i1 to i32
      %cond3A_239 = arith.constant 0 : i32
      %cond3A_240 = arith.cmpi ne, %convert_element_type3A_238, %cond3A_239 : i32
      scf.if %cond3A_240 {
        %sub3A = arith.constant 2 : i32
        %sub3A_271 = arith.subi %add3A_219, %sub3A : i32
        %rem3A_272 = arith.constant 4 : i32
        %rem3A_273 = arith.remsi %sub3A_271, %rem3A_272 : i32
        %dma_wait3A_274 = arith.constant 0 : i32
        %dma_wait3A_275 = arith.constant 0 : i32
        %dma_wait3A_276 = tpu.memref_slice %arg8[%rem3A_273, %dma_wait3A_274, %dma_wait3A_275] : memref<4x128x64xf32, #tpu.memory_space<vmem>> -> memref<1x128x64xf32, #tpu.memory_space<vmem>>
        %dma_wait3A_277 = tpu.memref_squeeze %dma_wait3A_276 : memref<1x128x64xf32, #tpu.memory_space<vmem>> -> memref<128x64xf32, #tpu.memory_space<vmem>>
        %dma_wait3A_278 = arith.constant 0 : i32
        %dma_wait3A_279 = tpu.memref_slice %arg7[%sub3A_271, %dma_wait3A_278] : memref<157x128xi32, #tpu.memory_space<vmem>> -> memref<1x128xi32, #tpu.memory_space<vmem>>
        %dma_wait3A_280 = tpu.memref_squeeze %dma_wait3A_279 : memref<1x128xi32, #tpu.memory_space<vmem>> -> memref<128xi32, #tpu.memory_space<vmem>>
        %dma_wait3A_281 = arith.constant 0 : i32
        %dma_wait3A_282 = arith.constant 0 : i32
        %dma_wait3A_283 = tpu.memref_slice %arg9[%dma_wait3A_281, %dma_wait3A_282] : memref<10240x64xf32, #tpu.memory_space<vmem_shared>> -> memref<10240x64xf32, #tpu.memory_space<vmem_shared>>
        tpu.wait_indirect_dma semaphore(%arg13 : memref<!tpu.dma_semaphore, #tpu.memory_space<semaphore_mem>>) src(%dma_wait3A_277 : memref<128x64xf32, #tpu.memory_space<vmem>>) dst(%dma_wait3A_283 : memref<10240x64xf32, #tpu.memory_space<vmem_shared>>)
      } else {
      }
      %rem3A_241 = arith.constant 4 : i32
      %rem3A_242 = arith.remsi %add3A_219, %rem3A_241 : i32
      %dma_start3A_243 = arith.constant 0 : i32
      %dma_start3A_244 = arith.constant 0 : i32
      %dma_start3A_245 = tpu.memref_slice %arg8[%rem3A_242, %dma_start3A_243, %dma_start3A_244] : memref<4x128x64xf32, #tpu.memory_space<vmem>> -> memref<1x128x64xf32, #tpu.memory_space<vmem>>
      %dma_start3A_246 = tpu.memref_squeeze %dma_start3A_245 : memref<1x128x64xf32, #tpu.memory_space<vmem>> -> memref<128x64xf32, #tpu.memory_space<vmem>>
      %dma_start3A_247 = arith.constant 0 : i32
      %dma_start3A_248 = tpu.memref_slice %arg7[%add3A_219, %dma_start3A_247] : memref<157x128xi32, #tpu.memory_space<vmem>> -> memref<1x128xi32, #tpu.memory_space<vmem>>
      %dma_start3A_249 = tpu.memref_squeeze %dma_start3A_248 : memref<1x128xi32, #tpu.memory_space<vmem>> -> memref<128xi32, #tpu.memory_space<vmem>>
      %dma_start3A_250 = arith.constant 0 : i32
      %dma_start3A_251 = arith.constant 0 : i32
      %dma_start3A_252 = tpu.memref_slice %arg9[%dma_start3A_250, %dma_start3A_251] : memref<10240x64xf32, #tpu.memory_space<vmem_shared>> -> memref<10240x64xf32, #tpu.memory_space<vmem_shared>>
      tpu.enqueue_indirect_dma source(%dma_start3A_246 : memref<128x64xf32, #tpu.memory_space<vmem>>) target(%dma_start3A_252 : memref<10240x64xf32, #tpu.memory_space<vmem_shared>>) offsets(%dma_start3A_249 : memref<128xi32, #tpu.memory_space<vmem>>) semaphore(%arg13 : memref<!tpu.dma_semaphore, #tpu.memory_space<semaphore_mem>>) {add = true}
      %add3A_253 = arith.constant 2 : i32
      %add3A_254 = arith.addi %add3A_219, %add3A_253 : i32
      %rem3A_255 = arith.constant 4 : i32
      %rem3A_256 = arith.remsi %add3A_254, %rem3A_255 : i32
      %dma_start3A_257 = arith.constant 0 : i32
      %dma_start3A_258 = arith.constant 0 : i32
      %dma_start3A_259 = tpu.memref_slice %arg8[%rem3A_256, %dma_start3A_257, %dma_start3A_258] : memref<4x128x64xf32, #tpu.memory_space<vmem>> -> memref<1x128x64xf32, #tpu.memory_space<vmem>>
      %dma_start3A_260 = tpu.memref_squeeze %dma_start3A_259 : memref<1x128x64xf32, #tpu.memory_space<vmem>> -> memref<128x64xf32, #tpu.memory_space<vmem>>
      %dma_start3A_261 = arith.constant 0 : i32
      %dma_start3A_262 = tpu.memref_slice %arg6[%add3A_254, %dma_start3A_261] : memref<159x128xi32, #tpu.memory_space<vmem>> -> memref<1x128xi32, #tpu.memory_space<vmem>>
      %dma_start3A_263 = tpu.memref_squeeze %dma_start3A_262 : memref<1x128xi32, #tpu.memory_space<vmem>> -> memref<128xi32, #tpu.memory_space<vmem>>
      %dma_start3A_264 = arith.constant 0 : i32
      %dma_start3A_265 = arith.constant 0 : i32
      %dma_start3A_266 = tpu.memref_slice %arg4[%arg0, %dma_start3A_264, %dma_start3A_265] : memref<2x10240x64xf32, #tpu.memory_space<hbm>> -> memref<1x10240x64xf32, #tpu.memory_space<hbm>>
      %dma_start3A_267 = tpu.memref_squeeze %dma_start3A_266 : memref<1x10240x64xf32, #tpu.memory_space<hbm>> -> memref<10240x64xf32, #tpu.memory_space<hbm>>
      %dma_start3A_268 = arith.constant 0 : i32
      %dma_start3A_269 = arith.constant 0 : i32
      %dma_start3A_270 = tpu.memref_slice %dma_start3A_267[%dma_start3A_268, %dma_start3A_269] : memref<10240x64xf32, #tpu.memory_space<hbm>> -> memref<10240x64xf32, #tpu.memory_space<hbm>>
      tpu.enqueue_indirect_dma source(%dma_start3A_270 : memref<10240x64xf32, #tpu.memory_space<hbm>>) target(%dma_start3A_260 : memref<128x64xf32, #tpu.memory_space<vmem>>) offsets(%dma_start3A_263 : memref<128xi32, #tpu.memory_space<vmem>>) semaphore(%arg11 : memref<!tpu.dma_semaphore, #tpu.memory_space<semaphore_mem>>)
    }
    %scan3A_39 = arith.constant 78 : i32
    %rem3A_40 = arith.constant 156 : i32
    %rem3A_41 = arith.constant 4 : i32
    %rem3A_42 = arith.remsi %rem3A_40, %rem3A_41 : i32
    %dma_wait3A = arith.constant 156 : i32
    %dma_wait3A_43 = arith.constant 0 : i32
    %dma_wait3A_44 = arith.constant 0 : i32
    %dma_wait3A_45 = tpu.memref_slice %arg8[%rem3A_42, %dma_wait3A_43, %dma_wait3A_44] : memref<4x128x64xf32, #tpu.memory_space<vmem>> -> memref<1x128x64xf32, #tpu.memory_space<vmem>>
    %dma_wait3A_46 = tpu.memref_squeeze %dma_wait3A_45 : memref<1x128x64xf32, #tpu.memory_space<vmem>> -> memref<128x64xf32, #tpu.memory_space<vmem>>
    %dma_wait3A_47 = arith.constant 0 : i32
    %dma_wait3A_48 = tpu.memref_slice %arg6[%dma_wait3A, %dma_wait3A_47] : memref<159x128xi32, #tpu.memory_space<vmem>> -> memref<1x128xi32, #tpu.memory_space<vmem>>
    %dma_wait3A_49 = tpu.memref_squeeze %dma_wait3A_48 : memref<1x128xi32, #tpu.memory_space<vmem>> -> memref<128xi32, #tpu.memory_space<vmem>>
    %dma_wait3A_50 = arith.constant 0 : i32
    %dma_wait3A_51 = arith.constant 0 : i32
    %dma_wait3A_52 = tpu.memref_slice %arg4[%arg0, %dma_wait3A_50, %dma_wait3A_51] : memref<2x10240x64xf32, #tpu.memory_space<hbm>> -> memref<1x10240x64xf32, #tpu.memory_space<hbm>>
    %dma_wait3A_53 = tpu.memref_squeeze %dma_wait3A_52 : memref<1x10240x64xf32, #tpu.memory_space<hbm>> -> memref<10240x64xf32, #tpu.memory_space<hbm>>
    %dma_wait3A_54 = arith.constant 0 : i32
    %dma_wait3A_55 = arith.constant 0 : i32
    %dma_wait3A_56 = tpu.memref_slice %dma_wait3A_53[%dma_wait3A_54, %dma_wait3A_55] : memref<10240x64xf32, #tpu.memory_space<hbm>> -> memref<10240x64xf32, #tpu.memory_space<hbm>>
    tpu.wait_indirect_dma semaphore(%arg10 : memref<!tpu.dma_semaphore, #tpu.memory_space<semaphore_mem>>) src(%dma_wait3A_56 : memref<10240x64xf32, #tpu.memory_space<hbm>>) dst(%dma_wait3A_46 : memref<128x64xf32, #tpu.memory_space<vmem>>)
    %rem3A_57 = arith.constant 154 : i32
    %rem3A_58 = arith.constant 4 : i32
    %rem3A_59 = arith.remsi %rem3A_57, %rem3A_58 : i32
    %dma_wait3A_60 = arith.constant 154 : i32
    %dma_wait3A_61 = arith.constant 0 : i32
    %dma_wait3A_62 = arith.constant 0 : i32
    %dma_wait3A_63 = tpu.memref_slice %arg8[%rem3A_59, %dma_wait3A_61, %dma_wait3A_62] : memref<4x128x64xf32, #tpu.memory_space<vmem>> -> memref<1x128x64xf32, #tpu.memory_space<vmem>>
    %dma_wait3A_64 = tpu.memref_squeeze %dma_wait3A_63 : memref<1x128x64xf32, #tpu.memory_space<vmem>> -> memref<128x64xf32, #tpu.memory_space<vmem>>
    %dma_wait3A_65 = arith.constant 0 : i32
    %dma_wait3A_66 = tpu.memref_slice %arg7[%dma_wait3A_60, %dma_wait3A_65] : memref<157x128xi32, #tpu.memory_space<vmem>> -> memref<1x128xi32, #tpu.memory_space<vmem>>
    %dma_wait3A_67 = tpu.memref_squeeze %dma_wait3A_66 : memref<1x128xi32, #tpu.memory_space<vmem>> -> memref<128xi32, #tpu.memory_space<vmem>>
    %dma_wait3A_68 = arith.constant 0 : i32
    %dma_wait3A_69 = arith.constant 0 : i32
    %dma_wait3A_70 = tpu.memref_slice %arg9[%dma_wait3A_68, %dma_wait3A_69] : memref<10240x64xf32, #tpu.memory_space<vmem_shared>> -> memref<10240x64xf32, #tpu.memory_space<vmem_shared>>
    tpu.wait_indirect_dma semaphore(%arg12 : memref<!tpu.dma_semaphore, #tpu.memory_space<semaphore_mem>>) src(%dma_wait3A_64 : memref<128x64xf32, #tpu.memory_space<vmem>>) dst(%dma_wait3A_70 : memref<10240x64xf32, #tpu.memory_space<vmem_shared>>)
    %rem3A_71 = arith.constant 156 : i32
    %rem3A_72 = arith.constant 4 : i32
    %rem3A_73 = arith.remsi %rem3A_71, %rem3A_72 : i32
    %dma_start3A_74 = arith.constant 156 : i32
    %dma_start3A_75 = arith.constant 0 : i32
    %dma_start3A_76 = arith.constant 0 : i32
    %dma_start3A_77 = tpu.memref_slice %arg8[%rem3A_73, %dma_start3A_75, %dma_start3A_76] : memref<4x128x64xf32, #tpu.memory_space<vmem>> -> memref<1x128x64xf32, #tpu.memory_space<vmem>>
    %dma_start3A_78 = tpu.memref_squeeze %dma_start3A_77 : memref<1x128x64xf32, #tpu.memory_space<vmem>> -> memref<128x64xf32, #tpu.memory_space<vmem>>
    %dma_start3A_79 = arith.constant 0 : i32
    %dma_start3A_80 = tpu.memref_slice %arg7[%dma_start3A_74, %dma_start3A_79] : memref<157x128xi32, #tpu.memory_space<vmem>> -> memref<1x128xi32, #tpu.memory_space<vmem>>
    %dma_start3A_81 = tpu.memref_squeeze %dma_start3A_80 : memref<1x128xi32, #tpu.memory_space<vmem>> -> memref<128xi32, #tpu.memory_space<vmem>>
    %dma_start3A_82 = arith.constant 0 : i32
    %dma_start3A_83 = arith.constant 0 : i32
    %dma_start3A_84 = tpu.memref_slice %arg9[%dma_start3A_82, %dma_start3A_83] : memref<10240x64xf32, #tpu.memory_space<vmem_shared>> -> memref<10240x64xf32, #tpu.memory_space<vmem_shared>>
    tpu.enqueue_indirect_dma source(%dma_start3A_78 : memref<128x64xf32, #tpu.memory_space<vmem>>) target(%dma_start3A_84 : memref<10240x64xf32, #tpu.memory_space<vmem_shared>>) offsets(%dma_start3A_81 : memref<128xi32, #tpu.memory_space<vmem>>) semaphore(%arg12 : memref<!tpu.dma_semaphore, #tpu.memory_space<semaphore_mem>>) {add = true}
    %rem3A_85 = arith.constant 158 : i32
    %rem3A_86 = arith.constant 4 : i32
    %rem3A_87 = arith.remsi %rem3A_85, %rem3A_86 : i32
    %dma_start3A_88 = arith.constant 158 : i32
    %dma_start3A_89 = arith.constant 0 : i32
    %dma_start3A_90 = arith.constant 0 : i32
    %dma_start3A_91 = tpu.memref_slice %arg8[%rem3A_87, %dma_start3A_89, %dma_start3A_90] : memref<4x128x64xf32, #tpu.memory_space<vmem>> -> memref<1x128x64xf32, #tpu.memory_space<vmem>>
    %dma_start3A_92 = tpu.memref_squeeze %dma_start3A_91 : memref<1x128x64xf32, #tpu.memory_space<vmem>> -> memref<128x64xf32, #tpu.memory_space<vmem>>
    %dma_start3A_93 = arith.constant 0 : i32
    %dma_start3A_94 = tpu.memref_slice %arg6[%dma_start3A_88, %dma_start3A_93] : memref<159x128xi32, #tpu.memory_space<vmem>> -> memref<1x128xi32, #tpu.memory_space<vmem>>
    %dma_start3A_95 = tpu.memref_squeeze %dma_start3A_94 : memref<1x128xi32, #tpu.memory_space<vmem>> -> memref<128xi32, #tpu.memory_space<vmem>>
    %dma_start3A_96 = arith.constant 0 : i32
    %dma_start3A_97 = arith.constant 0 : i32
    %dma_start3A_98 = tpu.memref_slice %arg4[%arg0, %dma_start3A_96, %dma_start3A_97] : memref<2x10240x64xf32, #tpu.memory_space<hbm>> -> memref<1x10240x64xf32, #tpu.memory_space<hbm>>
    %dma_start3A_99 = tpu.memref_squeeze %dma_start3A_98 : memref<1x10240x64xf32, #tpu.memory_space<hbm>> -> memref<10240x64xf32, #tpu.memory_space<hbm>>
    %dma_start3A_100 = arith.constant 0 : i32
    %dma_start3A_101 = arith.constant 0 : i32
    %dma_start3A_102 = tpu.memref_slice %dma_start3A_99[%dma_start3A_100, %dma_start3A_101] : memref<10240x64xf32, #tpu.memory_space<hbm>> -> memref<10240x64xf32, #tpu.memory_space<hbm>>
    tpu.enqueue_indirect_dma source(%dma_start3A_102 : memref<10240x64xf32, #tpu.memory_space<hbm>>) target(%dma_start3A_92 : memref<128x64xf32, #tpu.memory_space<vmem>>) offsets(%dma_start3A_95 : memref<128xi32, #tpu.memory_space<vmem>>) semaphore(%arg10 : memref<!tpu.dma_semaphore, #tpu.memory_space<semaphore_mem>>)
    %rem3A_103 = arith.constant 157 : i32
    %rem3A_104 = arith.constant 4 : i32
    %rem3A_105 = arith.remsi %rem3A_103, %rem3A_104 : i32
    %dma_wait3A_106 = arith.constant 157 : i32
    %dma_wait3A_107 = arith.constant 0 : i32
    %dma_wait3A_108 = arith.constant 0 : i32
    %dma_wait3A_109 = tpu.memref_slice %arg8[%rem3A_105, %dma_wait3A_107, %dma_wait3A_108] : memref<4x128x64xf32, #tpu.memory_space<vmem>> -> memref<1x128x64xf32, #tpu.memory_space<vmem>>
    %dma_wait3A_110 = tpu.memref_squeeze %dma_wait3A_109 : memref<1x128x64xf32, #tpu.memory_space<vmem>> -> memref<128x64xf32, #tpu.memory_space<vmem>>
    %dma_wait3A_111 = arith.constant 0 : i32
    %dma_wait3A_112 = tpu.memref_slice %arg6[%dma_wait3A_106, %dma_wait3A_111] : memref<159x128xi32, #tpu.memory_space<vmem>> -> memref<1x128xi32, #tpu.memory_space<vmem>>
    %dma_wait3A_113 = tpu.memref_squeeze %dma_wait3A_112 : memref<1x128xi32, #tpu.memory_space<vmem>> -> memref<128xi32, #tpu.memory_space<vmem>>
    %dma_wait3A_114 = arith.constant 0 : i32
    %dma_wait3A_115 = arith.constant 0 : i32
    %dma_wait3A_116 = tpu.memref_slice %arg4[%arg0, %dma_wait3A_114, %dma_wait3A_115] : memref<2x10240x64xf32, #tpu.memory_space<hbm>> -> memref<1x10240x64xf32, #tpu.memory_space<hbm>>
    %dma_wait3A_117 = tpu.memref_squeeze %dma_wait3A_116 : memref<1x10240x64xf32, #tpu.memory_space<hbm>> -> memref<10240x64xf32, #tpu.memory_space<hbm>>
    %dma_wait3A_118 = arith.constant 0 : i32
    %dma_wait3A_119 = arith.constant 0 : i32
    %dma_wait3A_120 = tpu.memref_slice %dma_wait3A_117[%dma_wait3A_118, %dma_wait3A_119] : memref<10240x64xf32, #tpu.memory_space<hbm>> -> memref<10240x64xf32, #tpu.memory_space<hbm>>
    tpu.wait_indirect_dma semaphore(%arg11 : memref<!tpu.dma_semaphore, #tpu.memory_space<semaphore_mem>>) src(%dma_wait3A_120 : memref<10240x64xf32, #tpu.memory_space<hbm>>) dst(%dma_wait3A_110 : memref<128x64xf32, #tpu.memory_space<vmem>>)
    %rem3A_121 = arith.constant 158 : i32
    %rem3A_122 = arith.constant 4 : i32
    %rem3A_123 = arith.remsi %rem3A_121, %rem3A_122 : i32
    %dma_wait3A_124 = arith.constant 158 : i32
    %dma_wait3A_125 = arith.constant 0 : i32
    %dma_wait3A_126 = arith.constant 0 : i32
    %dma_wait3A_127 = tpu.memref_slice %arg8[%rem3A_123, %dma_wait3A_125, %dma_wait3A_126] : memref<4x128x64xf32, #tpu.memory_space<vmem>> -> memref<1x128x64xf32, #tpu.memory_space<vmem>>
    %dma_wait3A_128 = tpu.memref_squeeze %dma_wait3A_127 : memref<1x128x64xf32, #tpu.memory_space<vmem>> -> memref<128x64xf32, #tpu.memory_space<vmem>>
    %dma_wait3A_129 = arith.constant 0 : i32
    %dma_wait3A_130 = tpu.memref_slice %arg6[%dma_wait3A_124, %dma_wait3A_129] : memref<159x128xi32, #tpu.memory_space<vmem>> -> memref<1x128xi32, #tpu.memory_space<vmem>>
    %dma_wait3A_131 = tpu.memref_squeeze %dma_wait3A_130 : memref<1x128xi32, #tpu.memory_space<vmem>> -> memref<128xi32, #tpu.memory_space<vmem>>
    %dma_wait3A_132 = arith.constant 0 : i32
    %dma_wait3A_133 = arith.constant 0 : i32
    %dma_wait3A_134 = tpu.memref_slice %arg4[%arg0, %dma_wait3A_132, %dma_wait3A_133] : memref<2x10240x64xf32, #tpu.memory_space<hbm>> -> memref<1x10240x64xf32, #tpu.memory_space<hbm>>
    %dma_wait3A_135 = tpu.memref_squeeze %dma_wait3A_134 : memref<1x10240x64xf32, #tpu.memory_space<hbm>> -> memref<10240x64xf32, #tpu.memory_space<hbm>>
    %dma_wait3A_136 = arith.constant 0 : i32
    %dma_wait3A_137 = arith.constant 0 : i32
    %dma_wait3A_138 = tpu.memref_slice %dma_wait3A_135[%dma_wait3A_136, %dma_wait3A_137] : memref<10240x64xf32, #tpu.memory_space<hbm>> -> memref<10240x64xf32, #tpu.memory_space<hbm>>
    tpu.wait_indirect_dma semaphore(%arg10 : memref<!tpu.dma_semaphore, #tpu.memory_space<semaphore_mem>>) src(%dma_wait3A_138 : memref<10240x64xf32, #tpu.memory_space<hbm>>) dst(%dma_wait3A_128 : memref<128x64xf32, #tpu.memory_space<vmem>>)
    %rem3A_139 = arith.constant 155 : i32
    %rem3A_140 = arith.constant 4 : i32
    %rem3A_141 = arith.remsi %rem3A_139, %rem3A_140 : i32
    %dma_wait3A_142 = arith.constant 155 : i32
    %dma_wait3A_143 = arith.constant 0 : i32
    %dma_wait3A_144 = arith.constant 0 : i32
    %dma_wait3A_145 = tpu.memref_slice %arg8[%rem3A_141, %dma_wait3A_143, %dma_wait3A_144] : memref<4x128x64xf32, #tpu.memory_space<vmem>> -> memref<1x128x64xf32, #tpu.memory_space<vmem>>
    %dma_wait3A_146 = tpu.memref_squeeze %dma_wait3A_145 : memref<1x128x64xf32, #tpu.memory_space<vmem>> -> memref<128x64xf32, #tpu.memory_space<vmem>>
    %dma_wait3A_147 = arith.constant 0 : i32
    %dma_wait3A_148 = tpu.memref_slice %arg7[%dma_wait3A_142, %dma_wait3A_147] : memref<157x128xi32, #tpu.memory_space<vmem>> -> memref<1x128xi32, #tpu.memory_space<vmem>>
    %dma_wait3A_149 = tpu.memref_squeeze %dma_wait3A_148 : memref<1x128xi32, #tpu.memory_space<vmem>> -> memref<128xi32, #tpu.memory_space<vmem>>
    %dma_wait3A_150 = arith.constant 0 : i32
    %dma_wait3A_151 = arith.constant 0 : i32
    %dma_wait3A_152 = tpu.memref_slice %arg9[%dma_wait3A_150, %dma_wait3A_151] : memref<10240x64xf32, #tpu.memory_space<vmem_shared>> -> memref<10240x64xf32, #tpu.memory_space<vmem_shared>>
    tpu.wait_indirect_dma semaphore(%arg13 : memref<!tpu.dma_semaphore, #tpu.memory_space<semaphore_mem>>) src(%dma_wait3A_146 : memref<128x64xf32, #tpu.memory_space<vmem>>) dst(%dma_wait3A_152 : memref<10240x64xf32, #tpu.memory_space<vmem_shared>>)
    %rem3A_153 = arith.constant 156 : i32
    %rem3A_154 = arith.constant 4 : i32
    %rem3A_155 = arith.remsi %rem3A_153, %rem3A_154 : i32
    %dma_wait3A_156 = arith.constant 156 : i32
    %dma_wait3A_157 = arith.constant 0 : i32
    %dma_wait3A_158 = arith.constant 0 : i32
    %dma_wait3A_159 = tpu.memref_slice %arg8[%rem3A_155, %dma_wait3A_157, %dma_wait3A_158] : memref<4x128x64xf32, #tpu.memory_space<vmem>> -> memref<1x128x64xf32, #tpu.memory_space<vmem>>
    %dma_wait3A_160 = tpu.memref_squeeze %dma_wait3A_159 : memref<1x128x64xf32, #tpu.memory_space<vmem>> -> memref<128x64xf32, #tpu.memory_space<vmem>>
    %dma_wait3A_161 = arith.constant 0 : i32
    %dma_wait3A_162 = tpu.memref_slice %arg7[%dma_wait3A_156, %dma_wait3A_161] : memref<157x128xi32, #tpu.memory_space<vmem>> -> memref<1x128xi32, #tpu.memory_space<vmem>>
    %dma_wait3A_163 = tpu.memref_squeeze %dma_wait3A_162 : memref<1x128xi32, #tpu.memory_space<vmem>> -> memref<128xi32, #tpu.memory_space<vmem>>
    %dma_wait3A_164 = arith.constant 0 : i32
    %dma_wait3A_165 = arith.constant 0 : i32
    %dma_wait3A_166 = tpu.memref_slice %arg9[%dma_wait3A_164, %dma_wait3A_165] : memref<10240x64xf32, #tpu.memory_space<vmem_shared>> -> memref<10240x64xf32, #tpu.memory_space<vmem_shared>>
    tpu.wait_indirect_dma semaphore(%arg12 : memref<!tpu.dma_semaphore, #tpu.memory_space<semaphore_mem>>) src(%dma_wait3A_160 : memref<128x64xf32, #tpu.memory_space<vmem>>) dst(%dma_wait3A_166 : memref<10240x64xf32, #tpu.memory_space<vmem_shared>>)
    %barrier3A_167 = arith.constant 0 : index
    tpu.barrier barrier_id(%barrier3A_167)
    "tpu.region"() ({
      %run_scoped3A = tpu.sem_alloc : memref<!tpu.dma_semaphore, #tpu.memory_space<semaphore_mem>>
      %dma_start3A_168 = arith.constant 0 : i32
      %dma_start3A_169 = tpu.memref_slice %arg5[%arg0, %mul3A_0, %dma_start3A_168] : memref<2x10240x64xf32, #tpu.memory_space<hbm>> -> memref<1x640x64xf32, #tpu.memory_space<hbm>>
      %dma_start3A_170 = tpu.memref_squeeze %dma_start3A_169 : memref<1x640x64xf32, #tpu.memory_space<hbm>> -> memref<640x64xf32, #tpu.memory_space<hbm>>
      %dma_start3A_171 = arith.constant 0 : i32
      %dma_start3A_172 = tpu.memref_slice %arg9[%mul3A_0, %dma_start3A_171] : memref<10240x64xf32, #tpu.memory_space<vmem_shared>> -> memref<640x64xf32, #tpu.memory_space<vmem_shared>>
      tpu.enqueue_dma source(%dma_start3A_172 : memref<640x64xf32, #tpu.memory_space<vmem_shared>>) target(%dma_start3A_170 : memref<640x64xf32, #tpu.memory_space<hbm>>) target_semaphore(%run_scoped3A : memref<!tpu.dma_semaphore, #tpu.memory_space<semaphore_mem>>)
      %dma_wait3A_173 = arith.constant 0 : i32
      %dma_wait3A_174 = tpu.memref_slice %arg5[%arg0, %mul3A_0, %dma_wait3A_173] : memref<2x10240x64xf32, #tpu.memory_space<hbm>> -> memref<1x640x64xf32, #tpu.memory_space<hbm>>
      %dma_wait3A_175 = tpu.memref_squeeze %dma_wait3A_174 : memref<1x640x64xf32, #tpu.memory_space<hbm>> -> memref<640x64xf32, #tpu.memory_space<hbm>>
      %dma_wait3A_176 = arith.constant 0 : i32
      %dma_wait3A_177 = tpu.memref_slice %arg9[%mul3A_0, %dma_wait3A_176] : memref<10240x64xf32, #tpu.memory_space<vmem_shared>> -> memref<640x64xf32, #tpu.memory_space<vmem_shared>>
      tpu.wait_dma2 semaphore(%run_scoped3A : memref<!tpu.dma_semaphore, #tpu.memory_space<semaphore_mem>>) src(%dma_wait3A_177 : memref<640x64xf32, #tpu.memory_space<vmem_shared>>) dst(%dma_wait3A_175 : memref<640x64xf32, #tpu.memory_space<hbm>>)
      tpu.yield
    }) : () -> ()
    return
  }
}

module attributes {stable_mosaic.version = 14 : i64} {
  func.func @_tc1_body(%arg0: i32, %arg1: memref<2x1024x1xf32, #tpu.memory_space<vmem>>, %arg2: memref<1024x128xf32, #tpu.memory_space<vmem>>, %arg3: memref<128x128xf32, #tpu.memory_space<vmem>>, %arg4: memref<1024x1xf32, #tpu.memory_space<vmem>>, %arg5: memref<2x1024x64xf32, #tpu.memory_space<vmem>>) attributes {dimension_semantics = [#tpu.dimension_semantics<arbitrary>], iteration_bounds = array<i64: 10>, scalar_prefetch = 0 : i64, scratch_operands = 0 : i64, tpu.core_type = #tpu.core_type<tc>, window_params = [{transform_indices = @transform_0, window_bounds = array<i64: 2, 1024, 1>}, {transform_indices = @transform_1, window_bounds = array<i64: 1024, 128>}, {pipeline_mode = #tpu.pipeline_mode<synchronous>, transform_indices = @transform_2, window_bounds = array<i64: 128, 128>}, {transform_indices = @transform_3, window_bounds = array<i64: 1024, 1>}, {transform_indices = @transform_4, window_bounds = array<i64: 2, 1024, 64>}]} {
    %get3A = arith.constant 0 : index
    %get3A_0 = arith.constant 0 : index
    %get3A_1 = arith.constant 0 : index
    %get3A_2 = vector.load %arg1[%get3A, %get3A_0, %get3A_1] : memref<2x1024x1xf32, #tpu.memory_space<vmem>>, vector<1x1024x1xf32>
    %get3A_3 = vector.shape_cast %get3A_2 : vector<1x1024x1xf32> to vector<1024x1xf32>
    %get3A_4 = arith.constant 1 : index
    %get3A_5 = arith.constant 0 : index
    %get3A_6 = arith.constant 0 : index
    %get3A_7 = vector.load %arg1[%get3A_4, %get3A_5, %get3A_6] : memref<2x1024x1xf32, #tpu.memory_space<vmem>>, vector<1x1024x1xf32>
    %get3A_8 = vector.shape_cast %get3A_7 : vector<1x1024x1xf32> to vector<1024x1xf32>
    %add3A = arith.addf %get3A_3, %get3A_8 : vector<1024x1xf32>
    %add3A_9 = arith.constant 1.000000e+00 : f32
    %add3A_10 = vector.broadcast %add3A_9 : f32 to vector<1024x1xf32>
    %add3A_11 = arith.addf %add3A, %add3A_10 : vector<1024x1xf32>
    %rsqrt3A = math.rsqrt %add3A_11 : vector<1024x1xf32>
    %swap3A = arith.constant 0 : index
    %swap3A_12 = arith.constant 0 : index
    %swap3A_13 = vector.load %arg4[%swap3A, %swap3A_12] : memref<1024x1xf32, #tpu.memory_space<vmem>>, vector<1024x1xf32>
    tpu.vector_store %arg4[%swap3A, %swap3A_12], %rsqrt3A {strides = array<i32>} : memref<1024x1xf32, #tpu.memory_space<vmem>>, vector<1024x1xf32>,
    %get3A_14 = arith.constant 0 : index
    %get3A_15 = arith.constant 0 : index
    %get3A_16 = vector.load %arg2[%get3A_14, %get3A_15] : memref<1024x128xf32, #tpu.memory_space<vmem>>, vector<1024x128xf32>
    %get3A_17 = arith.constant 0 : index
    %get3A_18 = arith.constant 0 : index
    %get3A_19 = vector.load %arg3[%get3A_17, %get3A_18] : memref<128x128xf32, #tpu.memory_space<vmem>>, vector<128x128xf32>
    %dot_general3A = arith.constant dense<0.000000e+00> : vector<1024x128xf32>
    %dot_general3A_20 = tpu.matmul %get3A_16, %get3A_19, %dot_general3A {dimension_numbers = #tpu.dot_dimension_numbers<[1], [0], [0], [1], [0, 0, 1, 1], [], []>, transpose_lhs_hint = false} : vector<1024x128xf32>, vector<128x128xf32>, vector<1024x128xf32> -> vector<1024x128xf32>
    %mul3A = vector.broadcast %rsqrt3A : vector<1024x1xf32> to vector<1024x128xf32>
    %mul3A_21 = arith.mulf %dot_general3A_20, %mul3A : vector<1024x128xf32>
    %slice3A = vector.extract_strided_slice %mul3A_21 {offsets = [0, 0], sizes = [1024, 64], strides = [1, 1]} : vector<1024x128xf32> to vector<1024x64xf32>
    %swap3A_22 = arith.constant 0 : index
    %swap3A_23 = arith.constant 0 : index
    %swap3A_24 = arith.constant 0 : index
    %swap3A_25 = vector.load %arg5[%swap3A_22, %swap3A_23, %swap3A_24] : memref<2x1024x64xf32, #tpu.memory_space<vmem>>, vector<1x1024x64xf32>
    %swap3A_26 = vector.shape_cast %swap3A_25 : vector<1x1024x64xf32> to vector<1024x64xf32>
    %swap3A_27 = vector.shape_cast %slice3A : vector<1024x64xf32> to vector<1x1024x64xf32>
    tpu.vector_store %arg5[%swap3A_22, %swap3A_23, %swap3A_24], %swap3A_27 {strides = array<i32>} : memref<2x1024x64xf32, #tpu.memory_space<vmem>>, vector<1x1024x64xf32>,
    %slice3A_28 = vector.extract_strided_slice %mul3A_21 {offsets = [0, 64], sizes = [1024, 64], strides = [1, 1]} : vector<1024x128xf32> to vector<1024x64xf32>
    %swap3A_29 = arith.constant 1 : index
    %swap3A_30 = arith.constant 0 : index
    %swap3A_31 = arith.constant 0 : index
    %swap3A_32 = vector.load %arg5[%swap3A_29, %swap3A_30, %swap3A_31] : memref<2x1024x64xf32, #tpu.memory_space<vmem>>, vector<1x1024x64xf32>
    %swap3A_33 = vector.shape_cast %swap3A_32 : vector<1x1024x64xf32> to vector<1024x64xf32>
    %swap3A_34 = vector.shape_cast %slice3A_28 : vector<1024x64xf32> to vector<1x1024x64xf32>
    tpu.vector_store %arg5[%swap3A_29, %swap3A_30, %swap3A_31], %swap3A_34 {strides = array<i32>} : memref<2x1024x64xf32, #tpu.memory_space<vmem>>, vector<1x1024x64xf32>,
    return
  }
  func.func @transform_0(%arg0: i32) -> (i32, i32, i32) {
    %c0_i32 = arith.constant 0 : i32
    %c0_i32_0 = arith.constant 0 : i32
    %c0_i32_1 = arith.constant 0 : i32
    return %c0_i32, %arg0, %c0_i32_0 : i32, i32, i32
  }
  func.func @transform_1(%arg0: i32) -> (i32, i32) {
    %c0_i32 = arith.constant 0 : i32
    %c0_i32_0 = arith.constant 0 : i32
    return %arg0, %c0_i32 : i32, i32
  }
  func.func @transform_2(%arg0: i32) -> (i32, i32) {
    %c0_i32 = arith.constant 0 : i32
    %c0_i32_0 = arith.constant 0 : i32
    %c0_i32_1 = arith.constant 0 : i32
    return %c0_i32, %c0_i32_0 : i32, i32
  }
  func.func @transform_3(%arg0: i32) -> (i32, i32) {
    %c0_i32 = arith.constant 0 : i32
    %c0_i32_0 = arith.constant 0 : i32
    return %arg0, %c0_i32 : i32, i32
  }
  func.func @transform_4(%arg0: i32) -> (i32, i32, i32) {
    %c0_i32 = arith.constant 0 : i32
    %c0_i32_0 = arith.constant 0 : i32
    %c0_i32_1 = arith.constant 0 : i32
    return %c0_i32, %arg0, %c0_i32_0 : i32, i32, i32
  }
}

module attributes {stable_mosaic.version = 14 : i64} {
  func.func @_tc2_body(%arg0: i32, %arg1: memref<2x1024x64xf32, #tpu.memory_space<vmem>>, %arg2: memref<1024x1xf32, #tpu.memory_space<vmem>>, %arg3: memref<2x1x64xf32, #tpu.memory_space<vmem>>, %arg4: memref<128x64xf32, #tpu.memory_space<vmem>>, %arg5: memref<2x1024x32xf32, #tpu.memory_space<vmem>>) attributes {dimension_semantics = [#tpu.dimension_semantics<arbitrary>], iteration_bounds = array<i64: 10>, scalar_prefetch = 0 : i64, scratch_operands = 0 : i64, tpu.core_type = #tpu.core_type<tc>, window_params = [{transform_indices = @transform_0, window_bounds = array<i64: 2, 1024, 64>}, {transform_indices = @transform_1, window_bounds = array<i64: 1024, 1>}, {pipeline_mode = #tpu.pipeline_mode<synchronous>, transform_indices = @transform_2, window_bounds = array<i64: 2, 1, 64>}, {pipeline_mode = #tpu.pipeline_mode<synchronous>, transform_indices = @transform_3, window_bounds = array<i64: 128, 64>}, {transform_indices = @transform_4, window_bounds = array<i64: 2, 1024, 32>}]} {
    %get3A = arith.constant 0 : index
    %get3A_0 = arith.constant 0 : index
    %get3A_1 = vector.load %arg2[%get3A, %get3A_0] : memref<1024x1xf32, #tpu.memory_space<vmem>>, vector<1024x1xf32>
    %get3A_2 = arith.constant 0 : index
    %get3A_3 = arith.constant 0 : index
    %get3A_4 = arith.constant 0 : index
    %get3A_5 = vector.load %arg1[%get3A_2, %get3A_3, %get3A_4] : memref<2x1024x64xf32, #tpu.memory_space<vmem>>, vector<2x1024x64xf32>
    %broadcast_in_dim3A = vector.shape_cast %get3A_1 : vector<1024x1xf32> to vector<1x1024x1xf32>
    %mul3A = vector.broadcast %broadcast_in_dim3A : vector<1x1024x1xf32> to vector<2x1024x64xf32>
    %mul3A_6 = arith.mulf %mul3A, %get3A_5 : vector<2x1024x64xf32>
    %get3A_7 = arith.constant 0 : index
    %get3A_8 = arith.constant 0 : index
    %get3A_9 = arith.constant 0 : index
    %get3A_10 = vector.load %arg3[%get3A_7, %get3A_8, %get3A_9] : memref<2x1x64xf32, #tpu.memory_space<vmem>>, vector<2x1x64xf32>
    %add3A = vector.broadcast %get3A_10 : vector<2x1x64xf32> to vector<2x1024x64xf32>
    %add3A_11 = arith.addf %mul3A_6, %add3A : vector<2x1024x64xf32>
    %max3A = arith.constant 0.000000e+00 : f32
    %max3A_12 = vector.broadcast %max3A : f32 to vector<2x1024x64xf32>
    %max3A_13 = arith.maximumf %add3A_11, %max3A_12 : vector<2x1024x64xf32>
    %slice3A = vector.extract_strided_slice %max3A_13 {offsets = [0, 0, 0], sizes = [1, 1024, 64], strides = [1, 1, 1]} : vector<2x1024x64xf32> to vector<1x1024x64xf32>
    %squeeze3A = vector.shape_cast %slice3A : vector<1x1024x64xf32> to vector<1024x64xf32>
    %slice3A_14 = vector.extract_strided_slice %max3A_13 {offsets = [1, 0, 0], sizes = [1, 1024, 64], strides = [1, 1, 1]} : vector<2x1024x64xf32> to vector<1x1024x64xf32>
    %squeeze3A_15 = vector.shape_cast %slice3A_14 : vector<1x1024x64xf32> to vector<1024x64xf32>
    %concatenate3A = tpu.concatenate %squeeze3A, %squeeze3A_15 in 1 : vector<1024x64xf32>, vector<1024x64xf32> -> vector<1024x128xf32>
    %get3A_16 = arith.constant 0 : index
    %get3A_17 = arith.constant 0 : index
    %get3A_18 = vector.load %arg4[%get3A_16, %get3A_17] : memref<128x64xf32, #tpu.memory_space<vmem>>, vector<128x64xf32>
    %dot_general3A = arith.constant dense<0.000000e+00> : vector<1024x64xf32>
    %dot_general3A_19 = tpu.matmul %concatenate3A, %get3A_18, %dot_general3A {dimension_numbers = #tpu.dot_dimension_numbers<[1], [0], [0], [1], [0, 0, 1, 1], [], []>, transpose_lhs_hint = false} : vector<1024x128xf32>, vector<128x64xf32>, vector<1024x64xf32> -> vector<1024x64xf32>
    %mul3A_20 = vector.broadcast %get3A_1 : vector<1024x1xf32> to vector<1024x64xf32>
    %mul3A_21 = arith.mulf %mul3A_20, %dot_general3A_19 : vector<1024x64xf32>
    %slice3A_22 = vector.extract_strided_slice %mul3A_21 {offsets = [0, 0], sizes = [1024, 32], strides = [1, 1]} : vector<1024x64xf32> to vector<1024x32xf32>
    %swap3A = arith.constant 0 : index
    %swap3A_23 = arith.constant 0 : index
    %swap3A_24 = arith.constant 0 : index
    %swap3A_25 = vector.load %arg5[%swap3A, %swap3A_23, %swap3A_24] : memref<2x1024x32xf32, #tpu.memory_space<vmem>>, vector<1x1024x32xf32>
    %swap3A_26 = vector.shape_cast %swap3A_25 : vector<1x1024x32xf32> to vector<1024x32xf32>
    %swap3A_27 = vector.shape_cast %slice3A_22 : vector<1024x32xf32> to vector<1x1024x32xf32>
    tpu.vector_store %arg5[%swap3A, %swap3A_23, %swap3A_24], %swap3A_27 {strides = array<i32>} : memref<2x1024x32xf32, #tpu.memory_space<vmem>>, vector<1x1024x32xf32>,
    %slice3A_28 = vector.extract_strided_slice %mul3A_21 {offsets = [0, 32], sizes = [1024, 32], strides = [1, 1]} : vector<1024x64xf32> to vector<1024x32xf32>
    %swap3A_29 = arith.constant 1 : index
    %swap3A_30 = arith.constant 0 : index
    %swap3A_31 = arith.constant 0 : index
    %swap3A_32 = vector.load %arg5[%swap3A_29, %swap3A_30, %swap3A_31] : memref<2x1024x32xf32, #tpu.memory_space<vmem>>, vector<1x1024x32xf32>
    %swap3A_33 = vector.shape_cast %swap3A_32 : vector<1x1024x32xf32> to vector<1024x32xf32>
    %swap3A_34 = vector.shape_cast %slice3A_28 : vector<1024x32xf32> to vector<1x1024x32xf32>
    tpu.vector_store %arg5[%swap3A_29, %swap3A_30, %swap3A_31], %swap3A_34 {strides = array<i32>} : memref<2x1024x32xf32, #tpu.memory_space<vmem>>, vector<1x1024x32xf32>,
    return
  }
  func.func @transform_0(%arg0: i32) -> (i32, i32, i32) {
    %c0_i32 = arith.constant 0 : i32
    %c0_i32_0 = arith.constant 0 : i32
    %c0_i32_1 = arith.constant 0 : i32
    return %c0_i32, %arg0, %c0_i32_0 : i32, i32, i32
  }
  func.func @transform_1(%arg0: i32) -> (i32, i32) {
    %c0_i32 = arith.constant 0 : i32
    %c0_i32_0 = arith.constant 0 : i32
    return %arg0, %c0_i32 : i32, i32
  }
  func.func @transform_2(%arg0: i32) -> (i32, i32, i32) {
    %c0_i32 = arith.constant 0 : i32
    %c0_i32_0 = arith.constant 0 : i32
    %c0_i32_1 = arith.constant 0 : i32
    %c0_i32_2 = arith.constant 0 : i32
    return %c0_i32, %c0_i32_0, %c0_i32_1 : i32, i32, i32
  }
  func.func @transform_3(%arg0: i32) -> (i32, i32) {
    %c0_i32 = arith.constant 0 : i32
    %c0_i32_0 = arith.constant 0 : i32
    %c0_i32_1 = arith.constant 0 : i32
    return %c0_i32, %c0_i32_0 : i32, i32
  }
  func.func @transform_4(%arg0: i32) -> (i32, i32, i32) {
    %c0_i32 = arith.constant 0 : i32
    %c0_i32_0 = arith.constant 0 : i32
    %c0_i32_1 = arith.constant 0 : i32
    return %c0_i32, %arg0, %c0_i32_0 : i32, i32, i32
  }
}

module attributes {stable_mosaic.version = 14 : i64} {
  func.func @_tc3_body(%arg0: i32, %arg1: memref<2x1024x32xf32, #tpu.memory_space<vmem>>, %arg2: memref<1024x1xf32, #tpu.memory_space<vmem>>, %arg3: memref<2x1x32xf32, #tpu.memory_space<vmem>>, %arg4: memref<1024x64xf32, #tpu.memory_space<vmem>>) attributes {dimension_semantics = [#tpu.dimension_semantics<arbitrary>], iteration_bounds = array<i64: 10>, scalar_prefetch = 0 : i64, scratch_operands = 0 : i64, tpu.core_type = #tpu.core_type<tc>, window_params = [{transform_indices = @transform_0, window_bounds = array<i64: 2, 1024, 32>}, {transform_indices = @transform_1, window_bounds = array<i64: 1024, 1>}, {pipeline_mode = #tpu.pipeline_mode<synchronous>, transform_indices = @transform_2, window_bounds = array<i64: 2, 1, 32>}, {transform_indices = @transform_3, window_bounds = array<i64: 1024, 64>}]} {
    %get3A = arith.constant 0 : index
    %get3A_0 = arith.constant 0 : index
    %get3A_1 = vector.load %arg2[%get3A, %get3A_0] : memref<1024x1xf32, #tpu.memory_space<vmem>>, vector<1024x1xf32>
    %get3A_2 = arith.constant 0 : index
    %get3A_3 = arith.constant 0 : index
    %get3A_4 = arith.constant 0 : index
    %get3A_5 = vector.load %arg1[%get3A_2, %get3A_3, %get3A_4] : memref<2x1024x32xf32, #tpu.memory_space<vmem>>, vector<2x1024x32xf32>
    %broadcast_in_dim3A = vector.shape_cast %get3A_1 : vector<1024x1xf32> to vector<1x1024x1xf32>
    %mul3A = vector.broadcast %broadcast_in_dim3A : vector<1x1024x1xf32> to vector<2x1024x32xf32>
    %mul3A_6 = arith.mulf %mul3A, %get3A_5 : vector<2x1024x32xf32>
    %get3A_7 = arith.constant 0 : index
    %get3A_8 = arith.constant 0 : index
    %get3A_9 = arith.constant 0 : index
    %get3A_10 = vector.load %arg3[%get3A_7, %get3A_8, %get3A_9] : memref<2x1x32xf32, #tpu.memory_space<vmem>>, vector<2x1x32xf32>
    %add3A = vector.broadcast %get3A_10 : vector<2x1x32xf32> to vector<2x1024x32xf32>
    %add3A_11 = arith.addf %mul3A_6, %add3A : vector<2x1024x32xf32>
    %slice3A = vector.extract_strided_slice %add3A_11 {offsets = [0, 0, 0], sizes = [1, 1024, 32], strides = [1, 1, 1]} : vector<2x1024x32xf32> to vector<1x1024x32xf32>
    %squeeze3A = vector.shape_cast %slice3A : vector<1x1024x32xf32> to vector<1024x32xf32>
    %slice3A_12 = vector.extract_strided_slice %add3A_11 {offsets = [1, 0, 0], sizes = [1, 1024, 32], strides = [1, 1, 1]} : vector<2x1024x32xf32> to vector<1x1024x32xf32>
    %squeeze3A_13 = vector.shape_cast %slice3A_12 : vector<1x1024x32xf32> to vector<1024x32xf32>
    %concatenate3A = tpu.concatenate %squeeze3A, %squeeze3A_13 in 1 : vector<1024x32xf32>, vector<1024x32xf32> -> vector<1024x64xf32>
    %swap3A = arith.constant 0 : index
    %swap3A_14 = arith.constant 0 : index
    %swap3A_15 = vector.load %arg4[%swap3A, %swap3A_14] : memref<1024x64xf32, #tpu.memory_space<vmem>>, vector<1024x64xf32>
    tpu.vector_store %arg4[%swap3A, %swap3A_14], %concatenate3A {strides = array<i32>} : memref<1024x64xf32, #tpu.memory_space<vmem>>, vector<1024x64xf32>,
    return
  }
  func.func @transform_0(%arg0: i32) -> (i32, i32, i32) {
    %c0_i32 = arith.constant 0 : i32
    %c0_i32_0 = arith.constant 0 : i32
    %c0_i32_1 = arith.constant 0 : i32
    return %c0_i32, %arg0, %c0_i32_0 : i32, i32, i32
  }
  func.func @transform_1(%arg0: i32) -> (i32, i32) {
    %c0_i32 = arith.constant 0 : i32
    %c0_i32_0 = arith.constant 0 : i32
    return %arg0, %c0_i32 : i32, i32
  }
  func.func @transform_2(%arg0: i32) -> (i32, i32, i32) {
    %c0_i32 = arith.constant 0 : i32
    %c0_i32_0 = arith.constant 0 : i32
    %c0_i32_1 = arith.constant 0 : i32
    %c0_i32_2 = arith.constant 0 : i32
    return %c0_i32, %c0_i32_0, %c0_i32_1 : i32, i32, i32
  }
  func.func @transform_3(%arg0: i32) -> (i32, i32) {
    %c0_i32 = arith.constant 0 : i32
    %c0_i32_0 = arith.constant 0 : i32
    return %arg0, %c0_i32 : i32, i32
  }
}

</mosaic_0001>

<sc_bundles>
// kernel: kernel.11.cloned.1.call-start
scs
__scs_entry_jumppad:
0x0: {  	(pc) =	sbr.rel $0x88, $3  }
0x1: {  	(tag) =	ssettag $0x0;
	lr =	simm.s32 $0x1  }
0x2: {  	[smem:$0x3F9B] =	sst lr;
	_ =	strace $0xD0000000  }
0x3: {  	_ = 	snop  }
0x4: {  	_ = 	snop  }
0x5: {  	_ = 	snop  }
0x6: {  	_ = 	snop  }
0x7: {  	_ = 	snop  }
__scs_overlays_trampoline_lowered:
0x8: {  	[smem:$0x3FAA] =	sst s0  }
0x9: {  	[smem:$0x3FAB] =	sst s1  }
0xa: {  	[smem:$0x3FAC] =	sst s2  }
0xb: {  	[smem:$0x3FAD] =	sst s3  }
0xc: {  	[smem:$0x3FAE] =	sst s4  }
0xd: {  	[smem:$0x3FAF] =	sst s5  }
0xe: {  	[smem:$0x3FB0] =	sst s6  }
0xf: {  	[smem:$0x3FB1] =	sst s7  }
0x10: {  	[smem:$0x3FB2] =	sst s8  }
0x11: {  	[smem:$0x3FB3] =	sst s9;
	s0 =	simm.s32 @!p0 $0x0  }
0x12: {  	s1 =	sld [smem:$0x3F99];
	s0 =	simm.s32 @p0 $0x1  }
0x13: {  	[smem:$0x3FB4] =	sst s0;
	s0 =	simm.s32 @!p1 $0x0  }
0x14: {  	s2 =	sld [smem:$0x3F98];
	s0 =	simm.s32 @p1 $0x1  }
0x15: {  	[smem:$0x3FB5] =	sst s0;
	s0 =	simm.s32 @!p2 $0x0  }
0x16: {  	s3 =	sld [smem:$0x3FDB];
	s0 =	simm.s32 @p2 $0x1  }
0x17: {  	s4 =	simm.s32 $0x1BF5;
	[smem:$0x3FB7] =	sst s0  }
0x18: {  	s0 =	sld [smem:$0x3F9A];
	_ =	swait.ge [sflag:s4], $0x0  }
0x19: {  	s7 =	sld [smem:$0x3F9B]  }
0x1a: {  	s8 =	sadd.s32 $0xFFFFE003, lr  }
0x1b: {  	s9 =	sadd.s32 $0xFFFFFEF7, lr;
	s5 =	simm.s32 $0xFFFFFFFF;
	p2 =	slt.u32 s8, $0xFFFFF086  }
0x1c: {  	p1 =	slt.u32 s9, $0xF7A;
	s5 =	simm.s32 @!p2 $0x0  }
0x1d: {  	s5 =	simm.s32 @p1 $0x1;
	p0 =	seq.s32 s7, s2  }
0x1e: {  	s7 =	smul.u32 @!p0 $0xF7A, s2;
	p2 =	seq.s32 @!p0 s5, $0x0  }
0x1f: {  	s9 =	smul.u32 $0xF7A, s1;
	s8 =	simm.s32 @!p0 $0x1BF5;
	p2 =	por !p2, p0  }
0x20: {  	[sflag:s8] =	ssyncset.s32 @!p0 $0xFFFFF086;
	s6 =	sadd.s32 @!p0 s3, s7;
	s7 =	simm.s32 @!p0 $0x108  }
0x21: {  	s3 =	sadd.s32 s3, s9;
	s6 =	sadd.s32 @!p0 $0x88, s6;
	s7 =	simm.s32 @p2 $0x1082  }
0x22: {  	[simem:s7], [sflag:s8] =	dma.local @!p0 [hbm:s6], $0xF7A  }
0x23: {  	s9 =	sor.u32 $0xD0000000, s2;
	s6 =	simm.s32 $0x108;
	_ =	swait.ge @!p0 [sflag:s8], $0x0  }
0x24: {  	s3 =	sadd.s32 $0x88, s3;
	s6 =	simm.s32 @!p1 $0x1082;
	[sflag:s4] =	ssyncset.s32 $0xFFFFF086  }
0x25: {  	[simem:s6], [sflag:s4] =	dma.local [hbm:s3], $0xF7A  }
0x26: {  	[smem:$0x3F9B] =	sst s1;
	(tag) =	ssettag s2;
	_ =	strace s9  }
0x27: {  	s1 =	sld [smem:$0x3FAB]  }
0x28: {  	s2 =	sld [smem:$0x3FAC]  }
0x29: {  	s4 =	sld [smem:$0x3FAE]  }
0x2a: {  	p0 =	seq.s32 s5, $0x0;
	s5 =	sld [smem:$0x3FAF]  }
0x2b: {  	s6 =	sld [smem:$0x3FB0]  }
0x2c: {  	s7 =	sld [smem:$0x3FB1]  }
0x2d: {  	s3 =	simm.s32 $0x108;
	s8 =	sld [smem:$0x3FB2]  }
0x2e: {  	s3 =	simm.s32 @!p0 $0x1082;
	s9 =	sld [smem:$0x3FB3]  }
0x2f: {  	lr =	sadd.s32 s0, s3;
	s0 =	sld [smem:$0x3FAA]  }
0x30: {  	s3 =	sld [smem:$0x3FAD]  }
0x31: {  	[smem:$0x3FB6] =	sst s10  }
0x32: {  	s10 =	sld [smem:$0x3FB4];
	_ =	sdelay $0x3  }
0x33: {  	p0 =	seq.s32 s10, $0x1;
	s10 =	sld [smem:$0x3FB6];
	_ =	sdelay $0x3  }
0x34: {  	[smem:$0x3FB6] =	sst s10  }
0x35: {  	s10 =	sld [smem:$0x3FB5];
	_ =	sdelay $0x3  }
0x36: {  	p1 =	seq.s32 s10, $0x1;
	s10 =	sld [smem:$0x3FB6];
	_ =	sdelay $0x3  }
0x37: {  	[smem:$0x3FB6] =	sst s10  }
0x38: {  	s10 =	sld [smem:$0x3FB7]  }
0x39: {  	_ = 	snop;
	(pc) =	sbr.ind lr, $3  }
0x3a: {  	_ = 	snop  }
0x3b: {  	_ = 	snop  }
0x3c: {  	p2 =	seq.s32 s10, $0x1;
	s10 =	sld [smem:$0x3FB6]  }
0x3d: {  	_ =	shalt  }
0x3e: {  	_ =	shalt  }
0x3f: {  	_ =	shalt  }
0x40: {  	_ =	shalt  }
0x41: {  	_ =	shalt  }
0x42: {  	_ =	shalt  }
0x43: {  	_ =	shalt  }
0x44: {  	_ =	shalt  }
0x45: {  	_ =	shalt  }
0x46: {  	_ =	shalt  }
0x47: {  	_ =	shalt  }
0x48: {  	_ =	shalt  }
0x49: {  	_ =	shalt  }
0x4a: {  	_ =	shalt  }
0x4b: {  	_ =	shalt  }
0x4c: {  	_ =	shalt  }
0x4d: {  	_ =	shalt  }
0x4e: {  	_ =	shalt  }
0x4f: {  	_ =	shalt  }
0x50: {  	_ =	shalt  }
0x51: {  	_ =	shalt  }
0x52: {  	_ =	shalt  }
0x53: {  	_ =	shalt  }
0x54: {  	_ =	shalt  }
0x55: {  	_ =	shalt  }
0x56: {  	_ =	shalt  }
0x57: {  	_ =	shalt  }
0x58: {  	_ =	shalt  }
0x59: {  	_ =	shalt  }
0x5a: {  	_ =	shalt  }
0x5b: {  	_ =	shalt  }
0x5c: {  	_ =	shalt  }
0x5d: {  	_ =	shalt  }
0x5e: {  	_ =	shalt  }
0x5f: {  	_ =	shalt  }
0x60: {  	_ =	shalt  }
0x61: {  	_ =	shalt  }
0x62: {  	_ =	shalt  }
0x63: {  	_ =	shalt  }
0x64: {  	_ =	shalt  }
0x65: {  	_ =	shalt  }
0x66: {  	_ =	shalt  }
0x67: {  	_ =	shalt  }
0x68: {  	_ =	shalt  }
0x69: {  	_ =	shalt  }
0x6a: {  	_ =	shalt  }
0x6b: {  	_ =	shalt  }
0x6c: {  	_ =	shalt  }
0x6d: {  	_ =	shalt  }
0x6e: {  	_ =	shalt  }
0x6f: {  	_ =	shalt  }
0x70: {  	_ =	shalt  }
0x71: {  	_ =	shalt  }
0x72: {  	_ =	shalt  }
0x73: {  	_ =	shalt  }
0x74: {  	_ =	shalt  }
0x75: {  	_ =	shalt  }
0x76: {  	_ =	shalt  }
0x77: {  	_ =	shalt  }
0x78: {  	_ =	shalt  }
0x79: {  	_ =	shalt  }
0x7a: {  	_ =	shalt  }
0x7b: {  	_ =	shalt  }
0x7c: {  	_ =	shalt  }
0x7d: {  	_ =	shalt  }
0x7e: {  	_ =	shalt  }
0x7f: {  	_ =	shalt  }
0x80: {  	_ =	shalt  }
0x81: {  	_ =	shalt  }
0x82: {  	_ =	shalt  }
0x83: {  	_ =	shalt  }
0x84: {  	_ =	shalt  }
0x85: {  	_ =	shalt  }
0x86: {  	_ =	shalt  }
0x87: {  	_ =	shalt  }
.Lfunc_end0:
.L_simem_size_0:
called_computation.1_lowered:
.L_overlay_start_0:
0x88: {  	s2 =	sld [smem:$0x3FD9]  }
0x89: {  	s3 =	sld [smem:$0x3FFE];
	_ =	sdelay $0x1  }
0x8a: {  	s1 =	srdreg.scid  }
0x8b: {  	s0 =	sand.u32 $0x1, s1  }
0x8c: {  	s16 =	sshll.u32 s0, $0xA;
	s2 =	sadd.s32 s3, s2  }
0x8d: {  	s2 =	sadd.s32 s2, s16  }
0x8e: {  	[smem:$0x3FC2] =	sst s2  }
0x8f: {  	_ = 	snop  }
0x90: {  	(tm) =	ssettm $0x1  }
0x91: {  	s17 =	sld [smem:$0x3FFB];
	_ =	sdelay $0x3  }
0x92: {  	_ =	strace s17  }
0x93: {  	s2 =	sld [smem:$0x3FFC];
	_ =	sdelay $0x3  }
0x94: {  	_ =	strace s2  }
0x95: {  	s2 =	sld [smem:$0x3FFD];
	_ =	sdelay $0x3  }
0x96: {  	_ =	strace s2  }
0x97: {  	_ =	strace $0x8FFFFFFF  }
0x98: {  	s18 =	sld [smem:$0x3FDB];
	_ =	sdelay $0x1  }
0x99: {  	s19 =	simm.s32 $_scs_section_size  }
0x9a: {  	s4 =	simm.s32 $_size__tile_overlayer_lowered;
	s5 =	simm.s32 $_tile_overlayer_lowered  }
0x9b: {  	s22 =	simm.s32 $0x1BFF;
	s21 =	sshll.u32 s5, $0x1;
	s2 =	sadd.s32 s19, s18  }
0x9c: {  	s6 =	simm.s32 $0x0;
	s20 =	sshll.u32 s4, $0x1;
	s4 =	sadd.s32 s21, s2  }
0x9d: {  	[timem:s6], [sflag:s22] =	dma.local [hbm:s4], s20  }
0x9e: {  	_ =	swait.ge [sflag:s22], s20  }
0x9f: {  	s3 =	ssub.s32 $0x0, s20;
	[sflag:s22] =	ssyncset.done $0x0  }
0xa0: {  	[sflag:s22] =	ssyncadd.s32 s3;
	_ =	sdelay $0x1  }
0xa1: {  	s23 =	simm.s32 $0x1B8B  }
0xa2: {  	_ =	swait.ge [sflag:s23], $0x1  }
0xa3: {  	[sflag:s23] =	ssyncset.done $0x0  }
0xa4: {  	s25 =	simm.s32 $0x1B8E;
	s24 =	sld [smem:$0x3FFE];
	[sflag:s23] =	ssyncadd.s32 $0xFFFFFFFF  }
0xa5: {  	s26 =	simm.s32 $execute0_lowered;
	[smem:$0x3FD2] =	sst s25  }
0xa6: {  	s4 =	sshll.u32 s26, $0x1;
	_ =	strace $0x80000049;
	[dreg:$0x1] =	wrdreg $0xFFFFFFFF  }
0xa7: {  	s28 =	simm.s32 $_size_execute0_lowered;
	s2 =	sadd.s32 s2, s4;
	[dreg:$0x0] =	wrdreg $0x0  }
0xa8: {  	s4 =	sshll.u32 s28, $0x1;
	[dreg:$0x2] =	wrdreg s2  }
0xa9: {  	[dreg:$0x3] =	wrdreg s4  }
0xaa: {  	[dreg:$0x4] =	wrdreg $0xC0  }
0xab: {  	_ =	task [dreg:s6], $0x5FFFF  }
0xac: {  	[dreg:$0x1] =	wrdreg $0xFFFFFFFF  }
0xad: {  	[dreg:$0x0] =	wrdreg $0x60  }
0xae: {  	[dreg:$0x2] =	wrdreg s24  }
0xaf: {  	[dreg:$0x3] =	wrdreg $0x11E000  }
0xb0: {  	[dreg:$0x4] =	wrdreg $0x9  }
0xb1: {  	_ =	task.clear_ibuf [dreg:s6], $0x5FFFF;
	_ =	strace $0x90000049  }
0xb2: {  	s29 =	simm.s32 $0x9;
	_ =	strace $0x8000004B  }
0xb3: {  	_ =	swait.ge [sflag:s29], $0x1  }
0xb4: {  	[sflag:s29] =	ssyncadd.s32 $0xFFFFFFFF  }
0xb5: {  	_ =	strace $0x9000004B  }
0xb6: {  	_ =	sfence  }
0xb7: {  	s30 =	sld [smem:$0x0];
	_ =	sdelay $0x2  }
0xb8: {  	s31 =	sshll.u32 s1, $0xD;
	s1 =	sshrl.u32 s1, $0x2  }
0xb9: {  	s3 =	sand.u32 $0x4000, s31;
	s1 =	sadd.s32 s1, s30  }
0xba: {  	s0 =	sor.u32 s3, s0;
	s1 =	sshll.u32 s1, $0x11  }
0xbb: {  	s0 =	sor.u32 s1, s0  }
0xbc: {  	s0 =	sadd.s32 $0x8F2B, s0  }
0xbd: {  	[sflag:s0] =	ssyncadd.remote.s32 $0x1  }
0xbe: {  	_ =	sfence.sel $0xFFFF  }
0xbf: {  	[dreg:$0x0] =	wrdreg $0xFFFFFFFF;
	(pc) =	sbr.abs _section_cstart, $3  }
0xc0: {  	[dreg:$0x1] =	wrdreg $0xFFFFFFFF  }
0xc1: {  	_ =	task.clear_ibuf [dreg:s6], $0x2FFFF;
	_ =	strace $0x9FFFFFFF  }
0xc2: {  	(tm) =	ssettm $0x7FFFFFFF  }
0xc3: {  	_ =	shalt  }
tec
execute0_lowered:
.L_overlay_start_1:
0x0: {  	(tag) =	ssettag $0x1  }
0x1: {  	s0 =	rddreg [dreg:$0x0];
	s12 =	stileid.u32  }
0x2: {  	s3 =	srdreg.scid;
	s2 =	rddreg [dreg:$0x1];
	s13 =	simm.s32 $0x4F80  }
0x3: {  	s14 =	simm.s32 $0x80;
	s15 =	simm.s32 $0x9E00;
	s16 =	simm.s32 $0xBE00  }
0x4: {  	s17 =	simm.s32 $0x1;
	s19 =	simm.s32 $0xDE00;
	s20 =	simm.s32 $0x2  }
0x5: {  	s23 =	simm.s32 $0xFE00;
	s24 =	simm.s32 $0x3;
	s25 =	simm.s32 $0x4  }
0x6: {  	s28 =	simm.s32 $0x4F00;
	s29 =	simm.s32 $0x0;
	s1 =	smul.u32 $0x9F0, s12  }
0x7: {  	s4 =	smul.u32 $0x9D0, s12;
	s5 =	sand.u32 $0x1, s3;
	s3 =	simm.s32 $0x0  }
0x8: {  	s7 =	smul.u32 $0xA000, s12;
	s31 =	sshll.u32 s12, $0x6;
	s12 =	simm.s32 $0x5  }
0x9: {  	s6 =	smul.u32 $0xA0000, s5;
	[smem:$0x7FF] =	sst s3;
	s5 =	ssub.s32 $0x2, s5  }
0xa: {  	_ =	strace $0x8000004A;
	s1 =	sadd.s32 s1, s0;
	s8 =	sadd.s32 s4, s0  }
0xb: {  	s9 =	sshrl.u32 s5, $0x1;
	s11 =	sadd.s32 s7, s2;
	s30 =	sshrl.u32 s7, $0x3  }
0xc: {  	s26 =	sshrl.u32 s6, $0x3;
	s6 =	sadd.s32 s7, s6;
	s10 =	ssub.s32 s5, s9  }
0xd: {  	s7 =	sadd.s32 $0x2400, s1;
	s8 =	sadd.s32 $0xC400, s8;
	s11 =	sshrl.u32 s11, $0x3  }
0xe: {  	s4 =	sadd.s32 s26, s0;
	s6 =	sshrl.u32 s6, $0x3;
	s10 =	smax.u32 s10, $0x1  }
0xf: {  	s26 =	simm.s32 $0x9D80;
	s0 =	sadd.s32 s6, s0;
	s4 =	sadd.s32 $0x16200, s4  }
0x10: {  	s6 =	sor.u32 $0x1C05, s31;
	s5 =	sadd.s32 s30, s4;
	s9 =	sadd.s32 $0x3E200, s0  }
.LBB2_1:
0x11: {  	[spmem:s11], [sflag:s6] =	dma.local [hbm:s5], $0x1400  }
0x12: {  	_ =	swait.ge [sflag:s12], $0x1400  }
0x13: {  	[sflag:s12] =	ssyncset.done $0x0  }
0x14: {  	[sflag:s12] =	ssyncadd.s32 $0xFFFFEC00  }
0x15: {  	[tilespmem:s3], [sflag:$0x5] =	stream.linear.gather [hbm4b:s7+s3], $0x4F80, $0x38;
	[tilespmem:$0x1BE00] =	vst v63  }
0x16: {  	_ =	swait.ge [sflag:s12], $0x4F80  }
0x17: {  	[sflag:s12] =	ssyncset.done $0x0  }
0x18: {  	[sflag:s12] =	ssyncadd.s32 $0xFFFFB080  }
0x19: {  	[tilespmem:s13], [sflag:$0x5] =	stream.linear.gather [hbm4b:s8+s3], $0x4E80, $0x38;
	[tilespmem:$0x1BE00] =	vst v63  }
0x1a: {  	_ =	swait.ge [sflag:s12], $0x4E80  }
0x1b: {  	[sflag:s12] =	ssyncset.done $0x0  }
0x1c: {  	[sflag:s12] =	ssyncadd.s32 $0xFFFFB180  }
0x1d: {  	[bflag:$0x0] =	sbarrier.arrive $0xFFFF  }
0x1e: {  	[tilespmem:s15], [sflag:$0x1] =	stream.indirect.gather [hbm4b:s4+s14], $0x40, s3, s14, $0xb8;
	[tilespmem:$0x1BE00] =	vst v63  }
0x1f: {  	_ = 	snop  }
0x20: {  	[tilespmem:s16], [sflag:$0x2] =	stream.indirect.gather [hbm4b:s4+s14], $0x40, s14, s14, $0xb8;
	[tilespmem:$0x1BE00] =	vst v63  }
0x21: {  	_ =	swait.ge [sflag:s17], $0x2000  }
0x22: {  	[sflag:s17] =	ssyncset.done $0x0  }
0x23: {  	[sflag:s17] =	ssyncadd.s32 $0xFFFFE000  }
0x24: {  	[spmem:s2] =	stream.indirect.scatter.add.f32 [tilespmem:s15], [sflag:$0x3], $0x40, s13, s14, $0xb8;
	[tilespmem:$0x1BE00] =	vst v63  }
0x25: {  	s0 =	simm.s32 $0x100  }
0x26: {  	[tilespmem:s19], [sflag:$0x1] =	stream.indirect.gather [hbm4b:s4+s14], $0x40, s0, s14, $0xb8;
	[tilespmem:$0x1BE00] =	vst v63  }
0x27: {  	_ =	swait.ge [sflag:s20], $0x2000  }
0x28: {  	[sflag:s20] =	ssyncset.done $0x0  }
0x29: {  	s18 =	simm.s32 $0x5000;
	[sflag:s20] =	ssyncadd.s32 $0xFFFFE000  }
0x2a: {  	[spmem:s2] =	stream.indirect.scatter.add.f32 [tilespmem:s16], [sflag:$0x4], $0x40, s18, s14, $0xb8;
	[tilespmem:$0x1BE00] =	vst v63  }
0x2b: {  	s21 =	simm.s32 $0x180  }
0x2c: {  	[tilespmem:s23], [sflag:$0x2] =	stream.indirect.gather [hbm4b:s4+s14], $0x40, s21, s14, $0xb8;
	[tilespmem:$0x1BE00] =	vst v63  }
0x2d: {  	_ =	swait.ge [sflag:s17], $0x2000  }
0x2e: {  	[sflag:s17] =	ssyncset.done $0x0  }
0x2f: {  	s30 =	simm.s32 $0x5080;
	s22 =	simm.s32 $0x10000;
	[sflag:s17] =	ssyncadd.s32 $0xFFFFE000  }
0x30: {  	s1 =	simm.s32 $0x20000;
	s0 =	sand.u32 $0x10000, s22;
	_ =	swait.ge [sflag:s24], $0x2000  }
0x31: {  	s1 =	sand.u32 $0x10000, s1;
	s0 =	sshrl.u32 s0, $0x2;
	[sflag:s24] =	ssyncset.done $0x0  }
0x32: {  	s1 =	sshrl.u32 s1, $0x2;
	s0 =	sor.u32 $0x9E00, s0;
	[sflag:s24] =	ssyncadd.s32 $0xFFFFE000  }
0x33: {  	[spmem:s2] =	stream.indirect.scatter.add.f32 [tilespmem:s0], [sflag:$0x3], $0x40, s30, s14, $0xb8;
	[tilespmem:$0x1BE00] =	vst v63  }
0x34: {  	s31 =	simm.s32 $0x200;
	s1 =	sor.u32 $0x9E00, s1  }
0x35: {  	[tilespmem:s1], [sflag:$0x1] =	stream.indirect.gather [hbm4b:s4+s14], $0x40, s31, s14, $0xb8;
	[tilespmem:$0x1BE00] =	vst v63  }
0x36: {  	_ =	swait.ge [sflag:s20], $0x2000  }
0x37: {  	[sflag:s20] =	ssyncset.done $0x0  }
0x38: {  	s18 =	simm.s32 $0x18000;
	[sflag:s20] =	ssyncadd.s32 $0xFFFFE000  }
0x39: {  	s21 =	simm.s32 $0x28000;
	s0 =	sand.u32 $0x18000, s18;
	_ =	swait.ge [sflag:s25], $0x2000  }
0x3a: {  	s22 =	sand.u32 $0x18000, s21;
	s0 =	sshrl.u32 s0, $0x2;
	[sflag:s25] =	ssyncset.done $0x0  }
0x3b: {  	s18 =	simm.s32 $0x5100;
	s0 =	sor.u32 $0x9E00, s0;
	[sflag:s25] =	ssyncadd.s32 $0xFFFFE000  }
0x3c: {  	[spmem:s2] =	stream.indirect.scatter.add.f32 [tilespmem:s0], [sflag:$0x4], $0x40, s18, s14, $0xb8;
	[tilespmem:$0x1BE00] =	vst v63  }
0x3d: {  	s1 =	simm.s32 $0x38000;
	s18 =	sshrl.u32 s22, $0x2;
	s0 =	simm.s32 $0x280  }
.LBB2_2:
0x3e: {  	s18 =	sor.u32 $0x9E00, s18  }
0x3f: {  	s30 =	sadd.s32 $0x100, s30;
	s31 =	sadd.s32 $0x100, s31;
	s21 =	smov.u32 s1  }
0x40: {  	[tilespmem:s18], [sflag:$0x2] =	stream.indirect.gather [hbm4b:s4+s14], $0x40, s0, s14, $0xb8;
	[tilespmem:$0x1BE00] =	vst v63  }
0x41: {  	p0 =	sne.s32 s1, $0x4E8000;
	s1 =	sadd.s32 $0x10000, s1;
	_ =	swait.ge [sflag:s17], $0x2000  }
0x42: {  	s0 =	sadd.s32 $0xFFFE8000, s21;
	[sflag:s17] =	ssyncset.done $0x0  }
0x43: {  	s0 =	sand.u32 $0x10000, s0;
	[sflag:s17] =	ssyncadd.s32 $0xFFFFE000  }
0x44: {  	s18 =	sadd.s32 $0xFFFF8000, s21;
	s0 =	sshrl.u32 s0, $0x2;
	_ =	swait.ge [sflag:s24], $0x2000  }
0x45: {  	s18 =	sand.u32 $0x10000, s18;
	s0 =	sor.u32 $0x9E00, s0;
	[sflag:s24] =	ssyncset.done $0x0  }
0x46: {  	s18 =	sshrl.u32 s18, $0x2;
	[sflag:s24] =	ssyncadd.s32 $0xFFFFE000  }
0x47: {  	[spmem:s2] =	stream.indirect.scatter.add.f32 [tilespmem:s0], [sflag:$0x3], $0x40, s30, s14, $0xb8;
	[tilespmem:$0x1BE00] =	vst v63  }
0x48: {  	s0 =	sor.u32 $0x9E00, s18  }
0x49: {  	[tilespmem:s0], [sflag:$0x1] =	stream.indirect.gather [hbm4b:s4+s14], $0x40, s31, s14, $0xb8;
	[tilespmem:$0x1BE00] =	vst v63  }
0x4a: {  	_ =	swait.ge [sflag:s20], $0x2000  }
0x4b: {  	s0 =	sadd.s32 $0xFFFF0000, s21;
	[sflag:s20] =	ssyncset.done $0x0  }
.Ltmp0:
0x4c: {  	s0 =	sand.u32 $0x18000, s0;
	[sflag:s20] =	ssyncadd.s32 $0xFFFFE000;
	(pc) =	sbr.rel @p0 .LBB2_2-.Ltmp0, $4  }
0x4d: {  	s18 =	sand.u32 $0x18000, s21;
	s0 =	sshrl.u32 s0, $0x2;
	_ =	swait.ge [sflag:s25], $0x2000  }
0x4e: {  	s22 =	sadd.s32 $0x80, s30;
	s21 =	sor.u32 $0x9E00, s0;
	[sflag:s25] =	ssyncset.done $0x0  }
0x4f: {  	s18 =	sshrl.u32 s18, $0x2;
	s0 =	sadd.s32 $0x80, s31;
	[sflag:s25] =	ssyncadd.s32 $0xFFFFE000  }
0x50: {  	[spmem:s2] =	stream.indirect.scatter.add.f32 [tilespmem:s21], [sflag:$0x4], $0x40, s22, s14, $0xb8;
	[tilespmem:$0x1BE00] =	vst v63  }
0x51: {  	s1 =	sor.u32 $0x9E00, s18  }
0x52: {  	[tilespmem:s1], [sflag:$0x2] =	stream.indirect.gather [hbm4b:s4+s14], $0x40, s0, s14, $0xb8;
	[tilespmem:$0x1BE00] =	vst v63  }
0x53: {  	_ =	swait.ge [sflag:s17], $0x2000  }
0x54: {  	[sflag:s17] =	ssyncset.done $0x0  }
0x55: {  	[sflag:s17] =	ssyncadd.s32 $0xFFFFE000  }
0x56: {  	_ =	swait.ge [sflag:s24], $0x2000  }
0x57: {  	[sflag:s24] =	ssyncset.done $0x0  }
0x58: {  	[sflag:s24] =	ssyncadd.s32 $0xFFFFE000  }
0x59: {  	[spmem:s2] =	stream.indirect.scatter.add.f32 [tilespmem:s15], [sflag:$0x3], $0x40, s26, s14, $0xb8;
	[tilespmem:$0x1BE00] =	vst v63  }
0x5a: {  	_ = 	snop  }
0x5b: {  	[tilespmem:s19], [sflag:$0x1] =	stream.indirect.gather [hbm4b:s4+s14], $0x40, s28, s14, $0xb8;
	[tilespmem:$0x1BE00] =	vst v63  }
0x5c: {  	_ =	swait.ge [sflag:s20], $0x2000  }
0x5d: {  	[sflag:s20] =	ssyncset.done $0x0  }
0x5e: {  	[sflag:s20] =	ssyncadd.s32 $0xFFFFE000  }
0x5f: {  	_ =	swait.ge [sflag:s17], $0x2000  }
0x60: {  	[sflag:s17] =	ssyncset.done $0x0  }
0x61: {  	[sflag:s17] =	ssyncadd.s32 $0xFFFFE000  }
0x62: {  	_ =	swait.ge [sflag:s25], $0x2000  }
0x63: {  	[sflag:s25] =	ssyncset.done $0x0  }
0x64: {  	[sflag:s25] =	ssyncadd.s32 $0xFFFFE000  }
0x65: {  	_ =	swait.ge [sflag:s24], $0x2000  }
0x66: {  	s29 =	sadd.s32 $0x1, s29;
	[sflag:s24] =	ssyncset.done $0x0  }
0x67: {  	p0 =	sne.s32 s29, s10;
	[sflag:s24] =	ssyncadd.s32 $0xFFFFE000  }
.Ltmp1:
0x68: {  	[bflag:$0x0] =	sbarrier.arrive $0xFFFF;
	(pc) =	sbr.rel @p0 .LBB2_1-.Ltmp1, $4  }
0x69: {  	[hbm:s9], [sflag:s6] =	dma.local [spmem:s11], $0x1400  }
0x6a: {  	_ =	swait.ge [sflag:s12], $0x1400  }
0x6b: {  	[sflag:s12] =	ssyncset.done $0x0  }
0x6c: {  	[sflag:s12] =	ssyncadd.s32 $0xFFFFEC00  }
0x6d: {  	_ =	sfence.sel $0x180000  }
0x6e: {  	[bflag:$0x0] =	sbarrier.arrive $0xFFFF  }
0x6f: {  	_ =	strace $0x9000004A  }
0x70: {  	s0 =	stileid.u32;
	[bflag:$0x2] =	sbarrier.arrive $0xFFFF  }
0x71: {  	p0 =	sne.s32 s0, $0x0;
	s0 =	rddreg [dreg:$0x2]  }
0x72: {  	s0 =	sadd.s32 @!p0 $0x100000, s0  }
0x73: {  	[sflag:s0] =	ssyncadd.tile.s32 @!p0 $0x1;
	_ =	shalt  }
.Lfunc_end2:
_tile_overlayer_lowered:
.L_overlay_start_2:
0x74: {  	(tag) =	ssettag $0x2  }
0x75: {  	s0 =	rddreg [dreg:$0x0];
	s2 =	stileid.u32  }
0x76: {  	s1 =	rddreg [dreg:$0x1];
	p0 =	sne.s32 s2, $0x0  }
0x77: {  	s3 =	rddreg [dreg:$0x2];
	[bflag:$0x3] =	sbarrier.arrive $0xFFFF;
	s2 =	simm.s32 @!p0 $0x1C05  }
0x78: {  	[timem:s3], [sflag:s2] =	dma.local @!p0 [hbm:s0], s1  }
0x79: {  	s0 =	simm.s32 @!p0 $0x5  }
0x7a: {  	_ =	swait.ge @!p0 [sflag:s0], s1  }
0x7b: {  	s1 =	ssub.s32 @!p0 $0x0, s1;
	[sflag:s0] =	ssyncset.done @!p0 $0x0  }
0x7c: {  	[sflag:s0] =	ssyncadd.s32 @!p0 s1  }
0x7d: {  	[bflag:$0x3] =	sbarrier.arrive $0xFFFF  }
0x7e: {  	_ =	shalt  }

// kernel: kernel.14.cloned.1.call-start
scs
__scs_entry_jumppad:
0x0: {  	(pc) =	sbr.rel $0x88, $3  }
0x1: {  	(tag) =	ssettag $0x0;
	lr =	simm.s32 $0x1  }
0x2: {  	[smem:$0x3F9B] =	sst lr;
	_ =	strace $0xD0000000  }
0x3: {  	_ = 	snop  }
0x4: {  	_ = 	snop  }
0x5: {  	_ = 	snop  }
0x6: {  	_ = 	snop  }
0x7: {  	_ = 	snop  }
__scs_overlays_trampoline_lowered:
0x8: {  	[smem:$0x3FAA] =	sst s0  }
0x9: {  	[smem:$0x3FAB] =	sst s1  }
0xa: {  	[smem:$0x3FAC] =	sst s2  }
0xb: {  	[smem:$0x3FAD] =	sst s3  }
0xc: {  	[smem:$0x3FAE] =	sst s4  }
0xd: {  	[smem:$0x3FAF] =	sst s5  }
0xe: {  	[smem:$0x3FB0] =	sst s6  }
0xf: {  	[smem:$0x3FB1] =	sst s7  }
0x10: {  	[smem:$0x3FB2] =	sst s8  }
0x11: {  	[smem:$0x3FB3] =	sst s9;
	s0 =	simm.s32 @!p0 $0x0  }
0x12: {  	s1 =	sld [smem:$0x3F99];
	s0 =	simm.s32 @p0 $0x1  }
0x13: {  	[smem:$0x3FB4] =	sst s0;
	s0 =	simm.s32 @!p1 $0x0  }
0x14: {  	s2 =	sld [smem:$0x3F98];
	s0 =	simm.s32 @p1 $0x1  }
0x15: {  	[smem:$0x3FB5] =	sst s0;
	s0 =	simm.s32 @!p2 $0x0  }
0x16: {  	s3 =	sld [smem:$0x3FDB];
	s0 =	simm.s32 @p2 $0x1  }
0x17: {  	s4 =	simm.s32 $0x1BF5;
	[smem:$0x3FB7] =	sst s0  }
0x18: {  	s0 =	sld [smem:$0x3F9A];
	_ =	swait.ge [sflag:s4], $0x0  }
0x19: {  	s7 =	sld [smem:$0x3F9B]  }
0x1a: {  	s8 =	sadd.s32 $0xFFFFE003, lr  }
0x1b: {  	s9 =	sadd.s32 $0xFFFFFEF7, lr;
	s5 =	simm.s32 $0xFFFFFFFF;
	p2 =	slt.u32 s8, $0xFFFFF086  }
0x1c: {  	p1 =	slt.u32 s9, $0xF7A;
	s5 =	simm.s32 @!p2 $0x0  }
0x1d: {  	s5 =	simm.s32 @p1 $0x1;
	p0 =	seq.s32 s7, s2  }
0x1e: {  	s7 =	smul.u32 @!p0 $0xF7A, s2;
	p2 =	seq.s32 @!p0 s5, $0x0  }
0x1f: {  	s9 =	smul.u32 $0xF7A, s1;
	s8 =	simm.s32 @!p0 $0x1BF5;
	p2 =	por !p2, p0  }
0x20: {  	[sflag:s8] =	ssyncset.s32 @!p0 $0xFFFFF086;
	s6 =	sadd.s32 @!p0 s3, s7;
	s7 =	simm.s32 @!p0 $0x108  }
0x21: {  	s3 =	sadd.s32 s3, s9;
	s6 =	sadd.s32 @!p0 $0x88, s6;
	s7 =	simm.s32 @p2 $0x1082  }
0x22: {  	[simem:s7], [sflag:s8] =	dma.local @!p0 [hbm:s6], $0xF7A  }
0x23: {  	s9 =	sor.u32 $0xD0000000, s2;
	s6 =	simm.s32 $0x108;
	_ =	swait.ge @!p0 [sflag:s8], $0x0  }
0x24: {  	s3 =	sadd.s32 $0x88, s3;
	s6 =	simm.s32 @!p1 $0x1082;
	[sflag:s4] =	ssyncset.s32 $0xFFFFF086  }
0x25: {  	[simem:s6], [sflag:s4] =	dma.local [hbm:s3], $0xF7A  }
0x26: {  	[smem:$0x3F9B] =	sst s1;
	(tag) =	ssettag s2;
	_ =	strace s9  }
0x27: {  	s1 =	sld [smem:$0x3FAB]  }
0x28: {  	s2 =	sld [smem:$0x3FAC]  }
0x29: {  	s4 =	sld [smem:$0x3FAE]  }
0x2a: {  	p0 =	seq.s32 s5, $0x0;
	s5 =	sld [smem:$0x3FAF]  }
0x2b: {  	s6 =	sld [smem:$0x3FB0]  }
0x2c: {  	s7 =	sld [smem:$0x3FB1]  }
0x2d: {  	s3 =	simm.s32 $0x108;
	s8 =	sld [smem:$0x3FB2]  }
0x2e: {  	s3 =	simm.s32 @!p0 $0x1082;
	s9 =	sld [smem:$0x3FB3]  }
0x2f: {  	lr =	sadd.s32 s0, s3;
	s0 =	sld [smem:$0x3FAA]  }
0x30: {  	s3 =	sld [smem:$0x3FAD]  }
0x31: {  	[smem:$0x3FB6] =	sst s10  }
0x32: {  	s10 =	sld [smem:$0x3FB4];
	_ =	sdelay $0x3  }
0x33: {  	p0 =	seq.s32 s10, $0x1;
	s10 =	sld [smem:$0x3FB6];
	_ =	sdelay $0x3  }
0x34: {  	[smem:$0x3FB6] =	sst s10  }
0x35: {  	s10 =	sld [smem:$0x3FB5];
	_ =	sdelay $0x3  }
0x36: {  	p1 =	seq.s32 s10, $0x1;
	s10 =	sld [smem:$0x3FB6];
	_ =	sdelay $0x3  }
0x37: {  	[smem:$0x3FB6] =	sst s10  }
0x38: {  	s10 =	sld [smem:$0x3FB7]  }
0x39: {  	_ = 	snop;
	(pc) =	sbr.ind lr, $3  }
0x3a: {  	_ = 	snop  }
0x3b: {  	_ = 	snop  }
0x3c: {  	p2 =	seq.s32 s10, $0x1;
	s10 =	sld [smem:$0x3FB6]  }
0x3d: {  	_ =	shalt  }
0x3e: {  	_ =	shalt  }
0x3f: {  	_ =	shalt  }
0x40: {  	_ =	shalt  }
0x41: {  	_ =	shalt  }
0x42: {  	_ =	shalt  }
0x43: {  	_ =	shalt  }
0x44: {  	_ =	shalt  }
0x45: {  	_ =	shalt  }
0x46: {  	_ =	shalt  }
0x47: {  	_ =	shalt  }
0x48: {  	_ =	shalt  }
0x49: {  	_ =	shalt  }
0x4a: {  	_ =	shalt  }
0x4b: {  	_ =	shalt  }
0x4c: {  	_ =	shalt  }
0x4d: {  	_ =	shalt  }
0x4e: {  	_ =	shalt  }
0x4f: {  	_ =	shalt  }
0x50: {  	_ =	shalt  }
0x51: {  	_ =	shalt  }
0x52: {  	_ =	shalt  }
0x53: {  	_ =	shalt  }
0x54: {  	_ =	shalt  }
0x55: {  	_ =	shalt  }
0x56: {  	_ =	shalt  }
0x57: {  	_ =	shalt  }
0x58: {  	_ =	shalt  }
0x59: {  	_ =	shalt  }
0x5a: {  	_ =	shalt  }
0x5b: {  	_ =	shalt  }
0x5c: {  	_ =	shalt  }
0x5d: {  	_ =	shalt  }
0x5e: {  	_ =	shalt  }
0x5f: {  	_ =	shalt  }
0x60: {  	_ =	shalt  }
0x61: {  	_ =	shalt  }
0x62: {  	_ =	shalt  }
0x63: {  	_ =	shalt  }
0x64: {  	_ =	shalt  }
0x65: {  	_ =	shalt  }
0x66: {  	_ =	shalt  }
0x67: {  	_ =	shalt  }
0x68: {  	_ =	shalt  }
0x69: {  	_ =	shalt  }
0x6a: {  	_ =	shalt  }
0x6b: {  	_ =	shalt  }
0x6c: {  	_ =	shalt  }
0x6d: {  	_ =	shalt  }
0x6e: {  	_ =	shalt  }
0x6f: {  	_ =	shalt  }
0x70: {  	_ =	shalt  }
0x71: {  	_ =	shalt  }
0x72: {  	_ =	shalt  }
0x73: {  	_ =	shalt  }
0x74: {  	_ =	shalt  }
0x75: {  	_ =	shalt  }
0x76: {  	_ =	shalt  }
0x77: {  	_ =	shalt  }
0x78: {  	_ =	shalt  }
0x79: {  	_ =	shalt  }
0x7a: {  	_ =	shalt  }
0x7b: {  	_ =	shalt  }
0x7c: {  	_ =	shalt  }
0x7d: {  	_ =	shalt  }
0x7e: {  	_ =	shalt  }
0x7f: {  	_ =	shalt  }
0x80: {  	_ =	shalt  }
0x81: {  	_ =	shalt  }
0x82: {  	_ =	shalt  }
0x83: {  	_ =	shalt  }
0x84: {  	_ =	shalt  }
0x85: {  	_ =	shalt  }
0x86: {  	_ =	shalt  }
0x87: {  	_ =	shalt  }
.Lfunc_end0:
.L_simem_size_0:
called_computation.2_lowered:
.L_overlay_start_0:
0x88: {  	s2 =	sld [smem:$0x3FD9]  }
0x89: {  	s3 =	sld [smem:$0x3FFE];
	_ =	sdelay $0x1  }
0x8a: {  	s1 =	srdreg.scid  }
0x8b: {  	s0 =	sand.u32 $0x1, s1  }
0x8c: {  	s16 =	sshll.u32 s0, $0xA;
	s2 =	sadd.s32 s3, s2  }
0x8d: {  	s2 =	sadd.s32 s2, s16  }
0x8e: {  	[smem:$0x3FC2] =	sst s2  }
0x8f: {  	_ = 	snop  }
0x90: {  	(tm) =	ssettm $0x1  }
0x91: {  	s17 =	sld [smem:$0x3FFB];
	_ =	sdelay $0x3  }
0x92: {  	_ =	strace s17  }
0x93: {  	s2 =	sld [smem:$0x3FFC];
	_ =	sdelay $0x3  }
0x94: {  	_ =	strace s2  }
0x95: {  	s2 =	sld [smem:$0x3FFD];
	_ =	sdelay $0x3  }
0x96: {  	_ =	strace s2  }
0x97: {  	_ =	strace $0x8FFFFFFF  }
0x98: {  	s18 =	sld [smem:$0x3FDB];
	_ =	sdelay $0x1  }
0x99: {  	s19 =	simm.s32 $_scs_section_size  }
0x9a: {  	s4 =	simm.s32 $_size__tile_overlayer_lowered;
	s5 =	simm.s32 $_tile_overlayer_lowered  }
0x9b: {  	s22 =	simm.s32 $0x1BFF;
	s21 =	sshll.u32 s5, $0x1;
	s2 =	sadd.s32 s19, s18  }
0x9c: {  	s6 =	simm.s32 $0x0;
	s20 =	sshll.u32 s4, $0x1;
	s4 =	sadd.s32 s21, s2  }
0x9d: {  	[timem:s6], [sflag:s22] =	dma.local [hbm:s4], s20  }
0x9e: {  	_ =	swait.ge [sflag:s22], s20  }
0x9f: {  	s3 =	ssub.s32 $0x0, s20;
	[sflag:s22] =	ssyncset.done $0x0  }
0xa0: {  	[sflag:s22] =	ssyncadd.s32 s3;
	_ =	sdelay $0x1  }
0xa1: {  	s23 =	simm.s32 $0x1B8B  }
0xa2: {  	_ =	swait.ge [sflag:s23], $0x1  }
0xa3: {  	[sflag:s23] =	ssyncset.done $0x0  }
0xa4: {  	s25 =	simm.s32 $0x1B8E;
	s24 =	sld [smem:$0x3FFE];
	[sflag:s23] =	ssyncadd.s32 $0xFFFFFFFF  }
0xa5: {  	s26 =	simm.s32 $execute0_lowered;
	[smem:$0x3FD2] =	sst s25  }
0xa6: {  	s4 =	sshll.u32 s26, $0x1;
	_ =	strace $0x8000004C;
	[dreg:$0x1] =	wrdreg $0xFFFFFFFF  }
0xa7: {  	s28 =	simm.s32 $_size_execute0_lowered;
	s2 =	sadd.s32 s2, s4;
	[dreg:$0x0] =	wrdreg $0x0  }
0xa8: {  	s4 =	sshll.u32 s28, $0x1;
	[dreg:$0x2] =	wrdreg s2  }
0xa9: {  	[dreg:$0x3] =	wrdreg s4  }
0xaa: {  	[dreg:$0x4] =	wrdreg $0xC0  }
0xab: {  	_ =	task [dreg:s6], $0x5FFFF  }
0xac: {  	[dreg:$0x1] =	wrdreg $0xFFFFFFFF  }
0xad: {  	[dreg:$0x0] =	wrdreg $0x60  }
0xae: {  	[dreg:$0x2] =	wrdreg s24  }
0xaf: {  	[dreg:$0x3] =	wrdreg $0xDE000  }
0xb0: {  	[dreg:$0x4] =	wrdreg $0x9  }
0xb1: {  	_ =	task.clear_ibuf [dreg:s6], $0x5FFFF;
	_ =	strace $0x9000004C  }
0xb2: {  	s29 =	simm.s32 $0x9;
	_ =	strace $0x8000004E  }
0xb3: {  	_ =	swait.ge [sflag:s29], $0x1  }
0xb4: {  	[sflag:s29] =	ssyncadd.s32 $0xFFFFFFFF  }
0xb5: {  	_ =	strace $0x9000004E  }
0xb6: {  	_ =	sfence  }
0xb7: {  	s30 =	sld [smem:$0x0];
	_ =	sdelay $0x2  }
0xb8: {  	s31 =	sshll.u32 s1, $0xD;
	s1 =	sshrl.u32 s1, $0x2  }
0xb9: {  	s3 =	sand.u32 $0x4000, s31;
	s1 =	sadd.s32 s1, s30  }
0xba: {  	s0 =	sor.u32 s3, s0;
	s1 =	sshll.u32 s1, $0x11  }
0xbb: {  	s0 =	sor.u32 s1, s0  }
0xbc: {  	s0 =	sadd.s32 $0x8F2B, s0  }
0xbd: {  	[sflag:s0] =	ssyncadd.remote.s32 $0x1  }
0xbe: {  	_ =	sfence.sel $0xFFFF  }
0xbf: {  	[dreg:$0x0] =	wrdreg $0xFFFFFFFF;
	(pc) =	sbr.abs _section_cstart, $3  }
0xc0: {  	[dreg:$0x1] =	wrdreg $0xFFFFFFFF  }
0xc1: {  	_ =	task.clear_ibuf [dreg:s6], $0x2FFFF;
	_ =	strace $0x9FFFFFFF  }
0xc2: {  	(tm) =	ssettm $0x7FFFFFFF  }
0xc3: {  	_ =	shalt  }
tec
execute0_lowered:
.L_overlay_start_1:
0x0: {  	(tag) =	ssettag $0x1  }
0x1: {  	s0 =	rddreg [dreg:$0x0];
	s12 =	stileid.u32  }
0x2: {  	s3 =	srdreg.scid;
	s2 =	rddreg [dreg:$0x1];
	s13 =	simm.s32 $0x4F80  }
0x3: {  	s14 =	simm.s32 $0x80;
	s15 =	simm.s32 $0x9E00;
	s16 =	simm.s32 $0xAE00  }
0x4: {  	s17 =	simm.s32 $0x1;
	s19 =	simm.s32 $0xBE00;
	s20 =	simm.s32 $0x2  }
0x5: {  	s23 =	simm.s32 $0xCE00;
	s24 =	simm.s32 $0x3;
	s25 =	simm.s32 $0x4  }
0x6: {  	s28 =	simm.s32 $0x4F00;
	s29 =	simm.s32 $0x0;
	s1 =	smul.u32 $0x9F0, s12  }
0x7: {  	s4 =	smul.u32 $0x9D0, s12;
	s5 =	sand.u32 $0x1, s3;
	s3 =	simm.s32 $0x0  }
0x8: {  	s7 =	smul.u32 $0x5000, s12;
	s31 =	sshll.u32 s12, $0x6;
	s12 =	simm.s32 $0x5  }
0x9: {  	s6 =	smul.u32 $0x50000, s5;
	[smem:$0x7FF] =	sst s3;
	s5 =	ssub.s32 $0x2, s5  }
0xa: {  	_ =	strace $0x8000004D;
	s1 =	sadd.s32 s1, s0;
	s8 =	sadd.s32 s4, s0  }
0xb: {  	s9 =	sshrl.u32 s5, $0x1;
	s11 =	sadd.s32 s7, s2;
	s30 =	sshrl.u32 s7, $0x3  }
0xc: {  	s26 =	sshrl.u32 s6, $0x3;
	s6 =	sadd.s32 s7, s6;
	s10 =	ssub.s32 s5, s9  }
0xd: {  	s7 =	sadd.s32 $0x2400, s1;
	s8 =	sadd.s32 $0xC400, s8;
	s11 =	sshrl.u32 s11, $0x3  }
0xe: {  	s4 =	sadd.s32 s26, s0;
	s6 =	sshrl.u32 s6, $0x3;
	s10 =	smax.u32 s10, $0x1  }
0xf: {  	s26 =	simm.s32 $0x9D80;
	s0 =	sadd.s32 s6, s0;
	s4 =	sadd.s32 $0x16200, s4  }
0x10: {  	s6 =	sor.u32 $0x1C05, s31;
	s5 =	sadd.s32 s30, s4;
	s9 =	sadd.s32 $0x2A200, s0  }
.LBB2_1:
0x11: {  	[spmem:s11], [sflag:s6] =	dma.local [hbm:s5], $0xA00  }
0x12: {  	_ =	swait.ge [sflag:s12], $0xA00  }
0x13: {  	[sflag:s12] =	ssyncset.done $0x0  }
0x14: {  	[sflag:s12] =	ssyncadd.s32 $0xFFFFF600  }
0x15: {  	[tilespmem:s3], [sflag:$0x5] =	stream.linear.gather [hbm4b:s7+s3], $0x4F80, $0x38;
	[tilespmem:$0x12E00] =	vst v63  }
0x16: {  	_ =	swait.ge [sflag:s12], $0x4F80  }
0x17: {  	[sflag:s12] =	ssyncset.done $0x0  }
0x18: {  	[sflag:s12] =	ssyncadd.s32 $0xFFFFB080  }
0x19: {  	[tilespmem:s13], [sflag:$0x5] =	stream.linear.gather [hbm4b:s8+s3], $0x4E80, $0x38;
	[tilespmem:$0x12E00] =	vst v63  }
0x1a: {  	_ =	swait.ge [sflag:s12], $0x4E80  }
0x1b: {  	[sflag:s12] =	ssyncset.done $0x0  }
0x1c: {  	[sflag:s12] =	ssyncadd.s32 $0xFFFFB180  }
0x1d: {  	[bflag:$0x0] =	sbarrier.arrive $0xFFFF  }
0x1e: {  	[tilespmem:s15], [sflag:$0x1] =	stream.indirect.gather [hbm4b:s4+s14], $0x20, s3, s14, $0xb8;
	[tilespmem:$0x12E00] =	vst v63  }
0x1f: {  	_ = 	snop  }
0x20: {  	[tilespmem:s16], [sflag:$0x2] =	stream.indirect.gather [hbm4b:s4+s14], $0x20, s14, s14, $0xb8;
	[tilespmem:$0x12E00] =	vst v63  }
0x21: {  	_ =	swait.ge [sflag:s17], $0x1000  }
0x22: {  	[sflag:s17] =	ssyncset.done $0x0  }
0x23: {  	[sflag:s17] =	ssyncadd.s32 $0xFFFFF000  }
0x24: {  	[spmem:s2] =	stream.indirect.scatter.add.f32 [tilespmem:s15], [sflag:$0x3], $0x20, s13, s14, $0xb8;
	[tilespmem:$0x12E00] =	vst v63  }
0x25: {  	s0 =	simm.s32 $0x100  }
0x26: {  	[tilespmem:s19], [sflag:$0x1] =	stream.indirect.gather [hbm4b:s4+s14], $0x20, s0, s14, $0xb8;
	[tilespmem:$0x12E00] =	vst v63  }
0x27: {  	_ =	swait.ge [sflag:s20], $0x1000  }
0x28: {  	[sflag:s20] =	ssyncset.done $0x0  }
0x29: {  	s18 =	simm.s32 $0x5000;
	[sflag:s20] =	ssyncadd.s32 $0xFFFFF000  }
0x2a: {  	[spmem:s2] =	stream.indirect.scatter.add.f32 [tilespmem:s16], [sflag:$0x4], $0x20, s18, s14, $0xb8;
	[tilespmem:$0x12E00] =	vst v63  }
0x2b: {  	s21 =	simm.s32 $0x180  }
0x2c: {  	[tilespmem:s23], [sflag:$0x2] =	stream.indirect.gather [hbm4b:s4+s14], $0x20, s21, s14, $0xb8;
	[tilespmem:$0x12E00] =	vst v63  }
0x2d: {  	_ =	swait.ge [sflag:s17], $0x1000  }
0x2e: {  	[sflag:s17] =	ssyncset.done $0x0  }
0x2f: {  	s30 =	simm.s32 $0x5080;
	s22 =	simm.s32 $0x8000;
	[sflag:s17] =	ssyncadd.s32 $0xFFFFF000  }
0x30: {  	s1 =	simm.s32 $0x10000;
	s0 =	sand.u32 $0x8000, s22;
	_ =	swait.ge [sflag:s24], $0x1000  }
0x31: {  	s1 =	sand.u32 $0x8000, s1;
	s0 =	sshrl.u32 s0, $0x2;
	[sflag:s24] =	ssyncset.done $0x0  }
0x32: {  	s1 =	sshrl.u32 s1, $0x2;
	s0 =	sor.u32 $0x9E00, s0;
	[sflag:s24] =	ssyncadd.s32 $0xFFFFF000  }
0x33: {  	[spmem:s2] =	stream.indirect.scatter.add.f32 [tilespmem:s0], [sflag:$0x3], $0x20, s30, s14, $0xb8;
	[tilespmem:$0x12E00] =	vst v63  }
0x34: {  	s31 =	simm.s32 $0x200;
	s1 =	sor.u32 $0x9E00, s1  }
0x35: {  	[tilespmem:s1], [sflag:$0x1] =	stream.indirect.gather [hbm4b:s4+s14], $0x20, s31, s14, $0xb8;
	[tilespmem:$0x12E00] =	vst v63  }
0x36: {  	_ =	swait.ge [sflag:s20], $0x1000  }
0x37: {  	[sflag:s20] =	ssyncset.done $0x0  }
0x38: {  	s18 =	simm.s32 $0xC000;
	[sflag:s20] =	ssyncadd.s32 $0xFFFFF000  }
0x39: {  	s21 =	simm.s32 $0x14000;
	s0 =	sand.u32 $0xC000, s18;
	_ =	swait.ge [sflag:s25], $0x1000  }
0x3a: {  	s22 =	sand.u32 $0xC000, s21;
	s0 =	sshrl.u32 s0, $0x2;
	[sflag:s25] =	ssyncset.done $0x0  }
0x3b: {  	s18 =	simm.s32 $0x5100;
	s0 =	sadd.s32 $0x9E00, s0;
	[sflag:s25] =	ssyncadd.s32 $0xFFFFF000  }
0x3c: {  	[spmem:s2] =	stream.indirect.scatter.add.f32 [tilespmem:s0], [sflag:$0x4], $0x20, s18, s14, $0xb8;
	[tilespmem:$0x12E00] =	vst v63  }
0x3d: {  	s1 =	simm.s32 $0x1C000;
	s18 =	sshrl.u32 s22, $0x2;
	s0 =	simm.s32 $0x280  }
.LBB2_2:
0x3e: {  	s18 =	sadd.s32 $0x9E00, s18  }
0x3f: {  	s30 =	sadd.s32 $0x100, s30;
	s31 =	sadd.s32 $0x100, s31;
	s21 =	smov.u32 s1  }
0x40: {  	[tilespmem:s18], [sflag:$0x2] =	stream.indirect.gather [hbm4b:s4+s14], $0x20, s0, s14, $0xb8;
	[tilespmem:$0x12E00] =	vst v63  }
0x41: {  	p0 =	sne.s32 s1, $0x274000;
	s1 =	sadd.s32 $0x8000, s1;
	_ =	swait.ge [sflag:s17], $0x1000  }
0x42: {  	s0 =	sadd.s32 $0xFFFF4000, s21;
	[sflag:s17] =	ssyncset.done $0x0  }
0x43: {  	s0 =	sand.u32 $0x8000, s0;
	[sflag:s17] =	ssyncadd.s32 $0xFFFFF000  }
0x44: {  	s18 =	sadd.s32 $0xFFFFC000, s21;
	s0 =	sshrl.u32 s0, $0x2;
	_ =	swait.ge [sflag:s24], $0x1000  }
0x45: {  	s18 =	sand.u32 $0x8000, s18;
	s0 =	sor.u32 $0x9E00, s0;
	[sflag:s24] =	ssyncset.done $0x0  }
0x46: {  	s18 =	sshrl.u32 s18, $0x2;
	[sflag:s24] =	ssyncadd.s32 $0xFFFFF000  }
0x47: {  	[spmem:s2] =	stream.indirect.scatter.add.f32 [tilespmem:s0], [sflag:$0x3], $0x20, s30, s14, $0xb8;
	[tilespmem:$0x12E00] =	vst v63  }
0x48: {  	s0 =	sor.u32 $0x9E00, s18  }
0x49: {  	[tilespmem:s0], [sflag:$0x1] =	stream.indirect.gather [hbm4b:s4+s14], $0x20, s31, s14, $0xb8;
	[tilespmem:$0x12E00] =	vst v63  }
0x4a: {  	_ =	swait.ge [sflag:s20], $0x1000  }
0x4b: {  	s0 =	sadd.s32 $0xFFFF8000, s21;
	[sflag:s20] =	ssyncset.done $0x0  }
.Ltmp0:
0x4c: {  	s0 =	sand.u32 $0xC000, s0;
	[sflag:s20] =	ssyncadd.s32 $0xFFFFF000;
	(pc) =	sbr.rel @p0 .LBB2_2-.Ltmp0, $4  }
0x4d: {  	s18 =	sand.u32 $0xC000, s21;
	s0 =	sshrl.u32 s0, $0x2;
	_ =	swait.ge [sflag:s25], $0x1000  }
0x4e: {  	s22 =	sadd.s32 $0x80, s30;
	s21 =	sadd.s32 $0x9E00, s0;
	[sflag:s25] =	ssyncset.done $0x0  }
0x4f: {  	s18 =	sshrl.u32 s18, $0x2;
	s0 =	sadd.s32 $0x80, s31;
	[sflag:s25] =	ssyncadd.s32 $0xFFFFF000  }
0x50: {  	[spmem:s2] =	stream.indirect.scatter.add.f32 [tilespmem:s21], [sflag:$0x4], $0x20, s22, s14, $0xb8;
	[tilespmem:$0x12E00] =	vst v63  }
0x51: {  	s1 =	sadd.s32 $0x9E00, s18  }
0x52: {  	[tilespmem:s1], [sflag:$0x2] =	stream.indirect.gather [hbm4b:s4+s14], $0x20, s0, s14, $0xb8;
	[tilespmem:$0x12E00] =	vst v63  }
0x53: {  	_ =	swait.ge [sflag:s17], $0x1000  }
0x54: {  	[sflag:s17] =	ssyncset.done $0x0  }
0x55: {  	[sflag:s17] =	ssyncadd.s32 $0xFFFFF000  }
0x56: {  	_ =	swait.ge [sflag:s24], $0x1000  }
0x57: {  	[sflag:s24] =	ssyncset.done $0x0  }
0x58: {  	[sflag:s24] =	ssyncadd.s32 $0xFFFFF000  }
0x59: {  	[spmem:s2] =	stream.indirect.scatter.add.f32 [tilespmem:s15], [sflag:$0x3], $0x20, s26, s14, $0xb8;
	[tilespmem:$0x12E00] =	vst v63  }
0x5a: {  	_ = 	snop  }
0x5b: {  	[tilespmem:s19], [sflag:$0x1] =	stream.indirect.gather [hbm4b:s4+s14], $0x20, s28, s14, $0xb8;
	[tilespmem:$0x12E00] =	vst v63  }
0x5c: {  	_ =	swait.ge [sflag:s20], $0x1000  }
0x5d: {  	[sflag:s20] =	ssyncset.done $0x0  }
0x5e: {  	[sflag:s20] =	ssyncadd.s32 $0xFFFFF000  }
0x5f: {  	_ =	swait.ge [sflag:s17], $0x1000  }
0x60: {  	[sflag:s17] =	ssyncset.done $0x0  }
0x61: {  	[sflag:s17] =	ssyncadd.s32 $0xFFFFF000  }
0x62: {  	_ =	swait.ge [sflag:s25], $0x1000  }
0x63: {  	[sflag:s25] =	ssyncset.done $0x0  }
0x64: {  	[sflag:s25] =	ssyncadd.s32 $0xFFFFF000  }
0x65: {  	_ =	swait.ge [sflag:s24], $0x1000  }
0x66: {  	s29 =	sadd.s32 $0x1, s29;
	[sflag:s24] =	ssyncset.done $0x0  }
0x67: {  	p0 =	sne.s32 s29, s10;
	[sflag:s24] =	ssyncadd.s32 $0xFFFFF000  }
.Ltmp1:
0x68: {  	[bflag:$0x0] =	sbarrier.arrive $0xFFFF;
	(pc) =	sbr.rel @p0 .LBB2_1-.Ltmp1, $4  }
0x69: {  	[hbm:s9], [sflag:s6] =	dma.local [spmem:s11], $0xA00  }
0x6a: {  	_ =	swait.ge [sflag:s12], $0xA00  }
0x6b: {  	[sflag:s12] =	ssyncset.done $0x0  }
0x6c: {  	[sflag:s12] =	ssyncadd.s32 $0xFFFFF600  }
0x6d: {  	_ =	sfence.sel $0x180000  }
0x6e: {  	[bflag:$0x0] =	sbarrier.arrive $0xFFFF  }
0x6f: {  	_ =	strace $0x9000004D  }
0x70: {  	s0 =	stileid.u32;
	[bflag:$0x2] =	sbarrier.arrive $0xFFFF  }
0x71: {  	p0 =	sne.s32 s0, $0x0;
	s0 =	rddreg [dreg:$0x2]  }
0x72: {  	s0 =	sadd.s32 @!p0 $0x100000, s0  }
0x73: {  	[sflag:s0] =	ssyncadd.tile.s32 @!p0 $0x1;
	_ =	shalt  }
.Lfunc_end2:
_tile_overlayer_lowered:
.L_overlay_start_2:
0x74: {  	(tag) =	ssettag $0x2  }
0x75: {  	s0 =	rddreg [dreg:$0x0];
	s2 =	stileid.u32  }
0x76: {  	s1 =	rddreg [dreg:$0x1];
	p0 =	sne.s32 s2, $0x0  }
0x77: {  	s3 =	rddreg [dreg:$0x2];
	[bflag:$0x3] =	sbarrier.arrive $0xFFFF;
	s2 =	simm.s32 @!p0 $0x1C05  }
0x78: {  	[timem:s3], [sflag:s2] =	dma.local @!p0 [hbm:s0], s1  }
0x79: {  	s0 =	simm.s32 @!p0 $0x5  }
0x7a: {  	_ =	swait.ge @!p0 [sflag:s0], s1  }
0x7b: {  	s1 =	ssub.s32 @!p0 $0x0, s1;
	[sflag:s0] =	ssyncset.done @!p0 $0x0  }
0x7c: {  	[sflag:s0] =	ssyncadd.s32 @!p0 s1  }
0x7d: {  	[bflag:$0x3] =	sbarrier.arrive $0xFFFF  }
0x7e: {  	_ =	shalt  }

// kernel: kernel.8.cloned.1.call-start
scs
__scs_entry_jumppad:
0x0: {  	(pc) =	sbr.rel $0x88, $3  }
0x1: {  	(tag) =	ssettag $0x0;
	lr =	simm.s32 $0x1  }
0x2: {  	[smem:$0x3F9B] =	sst lr;
	_ =	strace $0xD0000000  }
0x3: {  	_ = 	snop  }
0x4: {  	_ = 	snop  }
0x5: {  	_ = 	snop  }
0x6: {  	_ = 	snop  }
0x7: {  	_ = 	snop  }
__scs_overlays_trampoline_lowered:
0x8: {  	[smem:$0x3FAA] =	sst s0  }
0x9: {  	[smem:$0x3FAB] =	sst s1  }
0xa: {  	[smem:$0x3FAC] =	sst s2  }
0xb: {  	[smem:$0x3FAD] =	sst s3  }
0xc: {  	[smem:$0x3FAE] =	sst s4  }
0xd: {  	[smem:$0x3FAF] =	sst s5  }
0xe: {  	[smem:$0x3FB0] =	sst s6  }
0xf: {  	[smem:$0x3FB1] =	sst s7  }
0x10: {  	[smem:$0x3FB2] =	sst s8  }
0x11: {  	[smem:$0x3FB3] =	sst s9;
	s0 =	simm.s32 @!p0 $0x0  }
0x12: {  	s1 =	sld [smem:$0x3F99];
	s0 =	simm.s32 @p0 $0x1  }
0x13: {  	[smem:$0x3FB4] =	sst s0;
	s0 =	simm.s32 @!p1 $0x0  }
0x14: {  	s2 =	sld [smem:$0x3F98];
	s0 =	simm.s32 @p1 $0x1  }
0x15: {  	[smem:$0x3FB5] =	sst s0;
	s0 =	simm.s32 @!p2 $0x0  }
0x16: {  	s3 =	sld [smem:$0x3FDB];
	s0 =	simm.s32 @p2 $0x1  }
0x17: {  	s4 =	simm.s32 $0x1BF5;
	[smem:$0x3FB7] =	sst s0  }
0x18: {  	s0 =	sld [smem:$0x3F9A];
	_ =	swait.ge [sflag:s4], $0x0  }
0x19: {  	s7 =	sld [smem:$0x3F9B]  }
0x1a: {  	s8 =	sadd.s32 $0xFFFFE003, lr  }
0x1b: {  	s9 =	sadd.s32 $0xFFFFFEF7, lr;
	s5 =	simm.s32 $0xFFFFFFFF;
	p2 =	slt.u32 s8, $0xFFFFF086  }
0x1c: {  	p1 =	slt.u32 s9, $0xF7A;
	s5 =	simm.s32 @!p2 $0x0  }
0x1d: {  	s5 =	simm.s32 @p1 $0x1;
	p0 =	seq.s32 s7, s2  }
0x1e: {  	s7 =	smul.u32 @!p0 $0xF7A, s2;
	p2 =	seq.s32 @!p0 s5, $0x0  }
0x1f: {  	s9 =	smul.u32 $0xF7A, s1;
	s8 =	simm.s32 @!p0 $0x1BF5;
	p2 =	por !p2, p0  }
0x20: {  	[sflag:s8] =	ssyncset.s32 @!p0 $0xFFFFF086;
	s6 =	sadd.s32 @!p0 s3, s7;
	s7 =	simm.s32 @!p0 $0x108  }
0x21: {  	s3 =	sadd.s32 s3, s9;
	s6 =	sadd.s32 @!p0 $0x88, s6;
	s7 =	simm.s32 @p2 $0x1082  }
0x22: {  	[simem:s7], [sflag:s8] =	dma.local @!p0 [hbm:s6], $0xF7A  }
0x23: {  	s9 =	sor.u32 $0xD0000000, s2;
	s6 =	simm.s32 $0x108;
	_ =	swait.ge @!p0 [sflag:s8], $0x0  }
0x24: {  	s3 =	sadd.s32 $0x88, s3;
	s6 =	simm.s32 @!p1 $0x1082;
	[sflag:s4] =	ssyncset.s32 $0xFFFFF086  }
0x25: {  	[simem:s6], [sflag:s4] =	dma.local [hbm:s3], $0xF7A  }
0x26: {  	[smem:$0x3F9B] =	sst s1;
	(tag) =	ssettag s2;
	_ =	strace s9  }
0x27: {  	s1 =	sld [smem:$0x3FAB]  }
0x28: {  	s2 =	sld [smem:$0x3FAC]  }
0x29: {  	s4 =	sld [smem:$0x3FAE]  }
0x2a: {  	p0 =	seq.s32 s5, $0x0;
	s5 =	sld [smem:$0x3FAF]  }
0x2b: {  	s6 =	sld [smem:$0x3FB0]  }
0x2c: {  	s7 =	sld [smem:$0x3FB1]  }
0x2d: {  	s3 =	simm.s32 $0x108;
	s8 =	sld [smem:$0x3FB2]  }
0x2e: {  	s3 =	simm.s32 @!p0 $0x1082;
	s9 =	sld [smem:$0x3FB3]  }
0x2f: {  	lr =	sadd.s32 s0, s3;
	s0 =	sld [smem:$0x3FAA]  }
0x30: {  	s3 =	sld [smem:$0x3FAD]  }
0x31: {  	[smem:$0x3FB6] =	sst s10  }
0x32: {  	s10 =	sld [smem:$0x3FB4];
	_ =	sdelay $0x3  }
0x33: {  	p0 =	seq.s32 s10, $0x1;
	s10 =	sld [smem:$0x3FB6];
	_ =	sdelay $0x3  }
0x34: {  	[smem:$0x3FB6] =	sst s10  }
0x35: {  	s10 =	sld [smem:$0x3FB5];
	_ =	sdelay $0x3  }
0x36: {  	p1 =	seq.s32 s10, $0x1;
	s10 =	sld [smem:$0x3FB6];
	_ =	sdelay $0x3  }
0x37: {  	[smem:$0x3FB6] =	sst s10  }
0x38: {  	s10 =	sld [smem:$0x3FB7]  }
0x39: {  	_ = 	snop;
	(pc) =	sbr.ind lr, $3  }
0x3a: {  	_ = 	snop  }
0x3b: {  	_ = 	snop  }
0x3c: {  	p2 =	seq.s32 s10, $0x1;
	s10 =	sld [smem:$0x3FB6]  }
0x3d: {  	_ =	shalt  }
0x3e: {  	_ =	shalt  }
0x3f: {  	_ =	shalt  }
0x40: {  	_ =	shalt  }
0x41: {  	_ =	shalt  }
0x42: {  	_ =	shalt  }
0x43: {  	_ =	shalt  }
0x44: {  	_ =	shalt  }
0x45: {  	_ =	shalt  }
0x46: {  	_ =	shalt  }
0x47: {  	_ =	shalt  }
0x48: {  	_ =	shalt  }
0x49: {  	_ =	shalt  }
0x4a: {  	_ =	shalt  }
0x4b: {  	_ =	shalt  }
0x4c: {  	_ =	shalt  }
0x4d: {  	_ =	shalt  }
0x4e: {  	_ =	shalt  }
0x4f: {  	_ =	shalt  }
0x50: {  	_ =	shalt  }
0x51: {  	_ =	shalt  }
0x52: {  	_ =	shalt  }
0x53: {  	_ =	shalt  }
0x54: {  	_ =	shalt  }
0x55: {  	_ =	shalt  }
0x56: {  	_ =	shalt  }
0x57: {  	_ =	shalt  }
0x58: {  	_ =	shalt  }
0x59: {  	_ =	shalt  }
0x5a: {  	_ =	shalt  }
0x5b: {  	_ =	shalt  }
0x5c: {  	_ =	shalt  }
0x5d: {  	_ =	shalt  }
0x5e: {  	_ =	shalt  }
0x5f: {  	_ =	shalt  }
0x60: {  	_ =	shalt  }
0x61: {  	_ =	shalt  }
0x62: {  	_ =	shalt  }
0x63: {  	_ =	shalt  }
0x64: {  	_ =	shalt  }
0x65: {  	_ =	shalt  }
0x66: {  	_ =	shalt  }
0x67: {  	_ =	shalt  }
0x68: {  	_ =	shalt  }
0x69: {  	_ =	shalt  }
0x6a: {  	_ =	shalt  }
0x6b: {  	_ =	shalt  }
0x6c: {  	_ =	shalt  }
0x6d: {  	_ =	shalt  }
0x6e: {  	_ =	shalt  }
0x6f: {  	_ =	shalt  }
0x70: {  	_ =	shalt  }
0x71: {  	_ =	shalt  }
0x72: {  	_ =	shalt  }
0x73: {  	_ =	shalt  }
0x74: {  	_ =	shalt  }
0x75: {  	_ =	shalt  }
0x76: {  	_ =	shalt  }
0x77: {  	_ =	shalt  }
0x78: {  	_ =	shalt  }
0x79: {  	_ =	shalt  }
0x7a: {  	_ =	shalt  }
0x7b: {  	_ =	shalt  }
0x7c: {  	_ =	shalt  }
0x7d: {  	_ =	shalt  }
0x7e: {  	_ =	shalt  }
0x7f: {  	_ =	shalt  }
0x80: {  	_ =	shalt  }
0x81: {  	_ =	shalt  }
0x82: {  	_ =	shalt  }
0x83: {  	_ =	shalt  }
0x84: {  	_ =	shalt  }
0x85: {  	_ =	shalt  }
0x86: {  	_ =	shalt  }
0x87: {  	_ =	shalt  }
.Lfunc_end0:
.L_simem_size_0:
called_computation_lowered:
.L_overlay_start_0:
0x88: {  	s2 =	sld [smem:$0x3FD9]  }
0x89: {  	s3 =	sld [smem:$0x3FFE];
	_ =	sdelay $0x1  }
0x8a: {  	s1 =	srdreg.scid  }
0x8b: {  	s0 =	sand.u32 $0x1, s1  }
0x8c: {  	s17 =	sshll.u32 s0, $0xA;
	s2 =	sadd.s32 s3, s2  }
0x8d: {  	s2 =	sadd.s32 s2, s17  }
0x8e: {  	[smem:$0x3FC2] =	sst s2  }
0x8f: {  	_ = 	snop  }
0x90: {  	s2 =	sld [smem:$0x3FD0];
	(tm) =	ssettm $0x1  }
0x91: {  	s18 =	sld [smem:$0x3FFB];
	_ =	sdelay $0x3  }
0x92: {  	_ =	strace s18  }
0x93: {  	s3 =	sld [smem:$0x3FFC];
	_ =	sdelay $0x3  }
0x94: {  	_ =	strace s3  }
0x95: {  	s3 =	sld [smem:$0x3FFD];
	_ =	sdelay $0x3  }
0x96: {  	_ =	strace s3  }
0x97: {  	_ =	strace $0x8FFFFFFF  }
0x98: {  	s19 =	sld [smem:$0x3FDB];
	_ =	sdelay $0x1  }
0x99: {  	s4 =	simm.s32 $_scs_section_size  }
0x9a: {  	s5 =	simm.s32 $_size__tile_overlayer_lowered;
	s6 =	simm.s32 $_tile_overlayer_lowered  }
0x9b: {  	s22 =	simm.s32 $0x1BFF;
	s21 =	sshll.u32 s6, $0x1;
	s3 =	sadd.s32 s4, s19  }
0x9c: {  	s7 =	simm.s32 $0x0;
	s20 =	sshll.u32 s5, $0x1;
	s5 =	sadd.s32 s21, s3  }
0x9d: {  	[timem:s7], [sflag:s22] =	dma.local [hbm:s5], s20  }
0x9e: {  	_ =	swait.ge [sflag:s22], s20  }
0x9f: {  	s4 =	ssub.s32 $0x0, s20;
	[sflag:s22] =	ssyncset.done $0x0  }
0xa0: {  	[sflag:s22] =	ssyncadd.s32 s4;
	_ =	sdelay $0x1  }
0xa1: {  	s23 =	simm.s32 $0x1B8B  }
0xa2: {  	_ =	swait.ge [sflag:s23], $0x1  }
0xa3: {  	[sflag:s23] =	ssyncset.done $0x0  }
0xa4: {  	s25 =	simm.s32 $0x1B8E;
	s24 =	sld [smem:$0x3FFE];
	[sflag:s23] =	ssyncadd.s32 $0xFFFFFFFF  }
0xa5: {  	s26 =	simm.s32 $execute0_lowered;
	[smem:$0x3FD2] =	sst s25  }
0xa6: {  	s5 =	sshll.u32 s26, $0x1;
	_ =	strace $0x80000046;
	[dreg:$0x1] =	wrdreg $0xFFFFFFFF  }
0xa7: {  	s28 =	simm.s32 $_size_execute0_lowered;
	s3 =	sadd.s32 s3, s5;
	[dreg:$0x0] =	wrdreg $0x0  }
0xa8: {  	s5 =	sshll.u32 s28, $0x1;
	[dreg:$0x2] =	wrdreg s3  }
0xa9: {  	[dreg:$0x3] =	wrdreg s5  }
0xaa: {  	[dreg:$0x4] =	wrdreg $0xC0  }
0xab: {  	_ =	task [dreg:s7], $0x5FFFF  }
0xac: {  	[dreg:$0x1] =	wrdreg $0xFFFFFFFF  }
0xad: {  	[dreg:$0x0] =	wrdreg $0x60  }
0xae: {  	[dreg:$0x2] =	wrdreg s2  }
0xaf: {  	[dreg:$0x3] =	wrdreg s24  }
0xb0: {  	[dreg:$0x4] =	wrdreg $0x28800  }
0xb1: {  	[dreg:$0x5] =	wrdreg $0x9  }
0xb2: {  	_ =	task.clear_ibuf [dreg:s7], $0x6FFFF;
	_ =	strace $0x90000046  }
0xb3: {  	s29 =	simm.s32 $0x9;
	_ =	strace $0x80000048  }
0xb4: {  	_ =	swait.ge [sflag:s29], $0x1  }
0xb5: {  	[sflag:s29] =	ssyncadd.s32 $0xFFFFFFFF  }
0xb6: {  	_ =	strace $0x90000048  }
0xb7: {  	_ =	sfence  }
0xb8: {  	s30 =	sld [smem:$0x0];
	_ =	sdelay $0x2  }
0xb9: {  	s31 =	sshll.u32 s1, $0xD;
	s1 =	sshrl.u32 s1, $0x2  }
0xba: {  	s3 =	sand.u32 $0x4000, s31;
	s1 =	sadd.s32 s1, s30  }
0xbb: {  	s0 =	sor.u32 s3, s0;
	s1 =	sshll.u32 s1, $0x11  }
0xbc: {  	s0 =	sor.u32 s1, s0  }
0xbd: {  	s0 =	sadd.s32 $0x8F2B, s0  }
0xbe: {  	[sflag:s0] =	ssyncadd.remote.s32 $0x1  }
0xbf: {  	_ =	sfence.sel $0xFFFF  }
0xc0: {  	[dreg:$0x0] =	wrdreg $0xFFFFFFFF;
	(pc) =	sbr.abs _section_cstart, $3  }
0xc1: {  	[dreg:$0x1] =	wrdreg $0xFFFFFFFF  }
0xc2: {  	_ =	task.clear_ibuf [dreg:s7], $0x2FFFF;
	_ =	strace $0x9FFFFFFF  }
0xc3: {  	(tm) =	ssettm $0x7FFFFFFF  }
tec
execute0_lowered:
.L_overlay_start_1:
0x0: {  	(tag) =	ssettag $0x1  }
0x1: {  	s7 =	rddreg [dreg:$0x0]  }
0x2: {  	s6 =	rddreg [dreg:$0x1]  }
0x3: {  	s2 =	rddreg [dreg:$0x2]  }
0x4: {  	s0 =	rddreg [dreg:$0x3];
	s4 =	srdreg.scid  }
0x5: {  	s1 =	stileid.u32;
	s3 =	simm.s32 $0x0;
	s13 =	simm.s32 $0x80  }
0x6: {  	s14 =	simm.s32 $0x20;
	s15 =	simm.s32 $0x10;
	s16 =	simm.s32 $0x0  }
0x7: {  	s8 =	sand.u32 $0x1, s4;
	s5 =	smul.u32 $0x500, s1;
	[smem:$0x7FF] =	sst s3  }
0x8: {  	s4 =	sadd.s32 $0x1800, s6;
	s10 =	sshll.u32 s1, $0x1;
	s12 =	smul.u32 $0xA00, s1  }
0x9: {  	s31 =	sshll.u32 s1, $0x6;
	s9 =	sshll.u32 s8, $0x7;
	_ =	strace $0x80000047  }
0xa: {  	s11 =	ssub.s32 $0x2, s8;
	s8 =	sor.u32 s8, s10;
	s9 =	sor.u32 s9, s5  }
0xb: {  	s5 =	sadd.s32 $0x1600, s6;
	s28 =	sshrl.u32 s11, $0x1;
	s8 =	smul.u32 $0x500, s8  }
0xc: {  	s30 =	sshrl.u32 s12, $0x2;
	s9 =	sshrl.u32 s9, $0x3;
	s29 =	ssub.s32 s11, s28  }
0xd: {  	s12 =	sadd.s32 s30, s2;
	s11 =	simm.s32 $0x1;
	s9 =	sadd.s32 s9, s6  }
0xe: {  	s6 =	sor.u32 $0x1C01, s31;
	s7 =	sadd.s32 s7, s8;
	s10 =	sshrl.u32 s12, $0x3  }
0xf: {  	s12 =	simm.s32 $0x2800;
	s8 =	sadd.s32 $0x1A00, s9;
	s9 =	smax.u32 s29, $0x1  }
.LBB2_1:
0x10: {  	[spmem:s10], [sflag:s6] =	dma.local [hbm:s5], $0x50  }
0x11: {  	_ =	swait.ge [sflag:s11], $0x50  }
0x12: {  	[sflag:s11] =	ssyncset.done $0x0  }
0x13: {  	[sflag:s11] =	ssyncadd.s32 $0xFFFFFFB0  }
0x14: {  	[tilespmem:s12], [sflag:$0x1] =	stream.linear.gather [hbm4b:s4+s3], $0x80, $0x38;
	[tilespmem:$0x2B00] =	vst v63  }
0x15: {  	_ =	swait.ge [sflag:s11], $0x80  }
0x16: {  	[sflag:s11] =	ssyncset.done $0x0  }
0x17: {  	[sflag:s11] =	ssyncadd.s32 $0xFFFFFF80  }
0x18: {  	[tilespmem:s3], [sflag:$0x1] =	stream.linear.gather [hbm4b:s7+s3], $0x2780, $0x38;
	[tilespmem:$0x2B00] =	vst v63  }
0x19: {  	_ =	swait.ge [sflag:s11], $0x2780  }
0x1a: {  	[sflag:s11] =	ssyncset.done $0x0  }
0x1b: {  	[sflag:s11] =	ssyncadd.s32 $0xFFFFD880  }
0x1c: {  	s17 =	simm.s32 $0x0;
	[bflag:$0x0] =	sbarrier.arrive $0xFFFF  }
0x1d: {  	[spmem:s2] =	stream.indirect.scatter.add.f32 [tilespmem:s12], [sflag:$0x1], $0x1, s17, s13, $0xb8;
	[tilespmem:$0x2B00] =	vst v63  }
0x1e: {  	_ =	swait.ge [sflag:s11], $0x80  }
0x1f: {  	s17 =	simm.s32 $0x200;
	[sflag:s11] =	ssyncset.done $0x0  }
.LBB2_2:
0x20: {  	s18 =	sshra.s32 s17, $0x2;
	[sflag:s11] =	ssyncadd.s32 $0xFFFFFF80;
	p0 =	sne.s32 s17, $0x9C00  }
0x21: {  	[spmem:s2] =	stream.indirect.scatter.add.f32 [tilespmem:s12], [sflag:$0x1], $0x1, s18, s13, $0xb8;
	[tilespmem:$0x2B00] =	vst v63  }
.Ltmp0:
0x22: {  	_ = 	snop;
	(pc) =	sbr.rel @p0 .LBB2_2-.Ltmp0, $4  }
0x23: {  	_ = 	snop  }
0x24: {  	s17 =	sadd.s32 $0x200, s17  }
0x25: {  	_ =	swait.ge [sflag:s11], $0x80  }
0x26: {  	[sflag:s11] =	ssyncset.done $0x0  }
0x27: {  	s16 =	sadd.s32 $0x1, s16  }
0x28: {  	[sflag:s11] =	ssyncadd.s32 $0xFFFFFF80;
	p0 =	sne.s32 s16, s9  }
.Ltmp1:
0x29: {  	[bflag:$0x0] =	sbarrier.arrive $0xFFFF;
	(pc) =	sbr.rel @p0 .LBB2_1-.Ltmp1, $4  }
0x2a: {  	[hbm:s8@s14], [sflag:s6] =	dma.strided [spmem:s10@s15], $0x50, s11, $0x10   }
0x2b: {  	_ =	swait.ge [sflag:s11], $0x50  }
0x2c: {  	[sflag:s11] =	ssyncset.done $0x0  }
0x2d: {  	[sflag:s11] =	ssyncadd.s32 $0xFFFFFFB0  }
0x2e: {  	_ =	sfence.sel $0x180000  }
0x2f: {  	[bflag:$0x0] =	sbarrier.arrive $0xFFFF  }
0x30: {  	p0 =	sne.s32 s1, $0x0;
	_ =	strace $0x90000047  }
0x31: {  	s0 =	sadd.s32 @!p0 $0x100000, s0;
	[bflag:$0x2] =	sbarrier.arrive $0xFFFF  }
0x32: {  	[sflag:s0] =	ssyncadd.tile.s32 @!p0 $0x1;
	_ =	shalt  }
.Lfunc_end2:
_tile_overlayer_lowered:
.L_overlay_start_2:
0x33: {  	(tag) =	ssettag $0x2  }
0x34: {  	s0 =	rddreg [dreg:$0x0];
	s2 =	stileid.u32  }
0x35: {  	s1 =	rddreg [dreg:$0x1];
	p0 =	sne.s32 s2, $0x0  }
0x36: {  	s3 =	rddreg [dreg:$0x2];
	[bflag:$0x3] =	sbarrier.arrive $0xFFFF;
	s2 =	simm.s32 @!p0 $0x1C01  }
0x37: {  	[timem:s3], [sflag:s2] =	dma.local @!p0 [hbm:s0], s1  }
0x38: {  	s0 =	simm.s32 @!p0 $0x1  }
0x39: {  	_ =	swait.ge @!p0 [sflag:s0], s1  }
0x3a: {  	s1 =	ssub.s32 @!p0 $0x0, s1;
	[sflag:s0] =	ssyncset.done @!p0 $0x0  }
0x3b: {  	[sflag:s0] =	ssyncadd.s32 @!p0 s1  }
0x3c: {  	[bflag:$0x3] =	sbarrier.arrive $0xFFFF  }
0x3d: {  	_ =	shalt  }

</sc_bundles>
